<compile_context>
chip_gen: v7x
topology: tpu7x:2x2x1
jax: 0.10.2.dev20260603
libtpu: 0.0.44.dev20260713+nightly
codegen_flags: <defaults>
</compile_context>

<pallas_src>
import functools

import jax
import jax.numpy as jnp
import numpy as np
from jax import lax
from jax.experimental import pallas as pl
from jax.experimental.pallas import tpu as pltpu
from jax.experimental.pallas import tpu_sc as plsc

VOCAB = 1000000
EMBED = 64
SEQ_LEN = 200
N_SEG = 3

NC = 2
NS = 16
NW = NC * NS

B_TOTAL = 4096 * SEQ_LEN
ROWS_PER_W = B_TOTAL // NW
CHUNK = 128
NCHUNKS = ROWS_PER_W // CHUNK
LANES = 16
CSL = EMBED // LANES
ROW_UNROLL = 4


def _make_pe(max_len, d):
    position = jnp.arange(max_len, dtype=jnp.float32)[:, None]
    div_term = jnp.exp(
        jnp.arange(0, d, 2, dtype=jnp.float32) * (-np.log(10000.0) / d)
    )
    pe = jnp.zeros((max_len, d), dtype=jnp.float32)
    pe = pe.at[:, 0::2].set(jnp.sin(position * div_term))
    pe = pe.at[:, 1::2].set(jnp.cos(position * div_term))
    return pe


@functools.partial(
    pl.kernel,
    out_type=jax.ShapeDtypeStruct((B_TOTAL, EMBED), jnp.float32),
    mesh=plsc.VectorSubcoreMesh(core_axis_name="c", subcore_axis_name="s"),
    scratch_types=[
        pltpu.VMEM((NCHUNKS, CHUNK), jnp.int32),
        pltpu.VMEM((NCHUNKS, CHUNK), jnp.int32),
        pltpu.VMEM((2, CHUNK, EMBED), jnp.float32),
        pltpu.VMEM((2, CHUNK, EMBED), jnp.float32),
        pltpu.VMEM((2, CHUNK, EMBED), jnp.float32),
        pltpu.SemaphoreType.DMA,
        pltpu.SemaphoreType.DMA,
        pltpu.SemaphoreType.DMA,
        pltpu.SemaphoreType.DMA,
        pltpu.SemaphoreType.DMA,
        pltpu.SemaphoreType.DMA,
    ],
    compiler_params=pltpu.CompilerParams(use_tc_tiling_on_sc=False),
)
def _sc_embed(seq_hbm, seg_hbm, tok_hbm, comb_hbm, out_hbm,
              sidx_v, cidx_v, tok_v, cmb_v, res_v,
              sem_t0, sem_t1, sem_c0, sem_c1, sem_w0, sem_w1):
    wid = lax.axis_index("s") * NC + lax.axis_index("c")
    gchunk0 = wid * NCHUNKS
    iota = lax.iota(jnp.int32, LANES)
    sem_t = (sem_t0, sem_t1)
    sem_c = (sem_c0, sem_c1)
    sem_w = (sem_w0, sem_w1)

    pltpu.sync_copy(seq_hbm.at[pl.ds(gchunk0, NCHUNKS)], sidx_v)
    pltpu.sync_copy(seg_hbm.at[pl.ds(gchunk0, NCHUNKS)], cidx_v)

    def cidx_body(c, _):
        for j in range(CHUNK // LANES):
            start = lax.rem(c * CHUNK + j * LANES, SEQ_LEN)
            traw = start + iota
            t = jnp.where(traw >= SEQ_LEN, traw - SEQ_LEN, traw)
            sl = pl.ds(j * LANES, LANES)
            cidx_v[c, sl] = cidx_v[c, sl] * SEQ_LEN + t
        return 0

    lax.fori_loop(0, NCHUNKS, cidx_body, 0)

    def gather(c, b):
        pltpu.async_copy(tok_hbm.at[sidx_v.at[c]], tok_v.at[b], sem_t[b])
        pltpu.async_copy(comb_hbm.at[cidx_v.at[c]], cmb_v.at[b], sem_c[b])

    gather(0, 0)
    gather(1, 1)

    def pair_body(g, _):
        for b in range(2):
            c = g * 2 + b
            pltpu.make_async_copy(tok_hbm.at[sidx_v.at[c]], tok_v.at[b], sem_t[b]).wait()
            pltpu.make_async_copy(comb_hbm.at[cidx_v.at[c]], cmb_v.at[b], sem_c[b]).wait()
            base = (gchunk0 + c) * CHUNK

            @pl.when(g >= 1)
            def _():
                prev = (gchunk0 + c - 2) * CHUNK
                pltpu.make_async_copy(
                    res_v.at[b], out_hbm.at[pl.ds(prev, CHUNK)], sem_w[b]
                ).wait()

            def add_body(r4, _):
                for rr in range(ROW_UNROLL):
                    for cc in range(CSL):
                        sl = pl.ds(cc * LANES, LANES)
                        res_v[b, r4 * ROW_UNROLL + rr, sl] = (
                            tok_v[b, r4 * ROW_UNROLL + rr, sl]
                            + cmb_v[b, r4 * ROW_UNROLL + rr, sl]
                        )
                return 0

            lax.fori_loop(0, CHUNK // ROW_UNROLL, add_body, 0)

            pltpu.async_copy(res_v.at[b], out_hbm.at[pl.ds(base, CHUNK)], sem_w[b])

            @pl.when(g < NCHUNKS // 2 - 1)
            def _():
                gather(c + 2, b)
        return 0

    lax.fori_loop(0, NCHUNKS // 2, pair_body, 0)

    for b in range(2):
        last = (gchunk0 + NCHUNKS - 2 + b) * CHUNK
        pltpu.make_async_copy(
            res_v.at[b], out_hbm.at[pl.ds(last, CHUNK)], sem_w[b]
        ).wait()


def kernel(sequence, segment_label, token_table, segment_table):
    nb, sl = sequence.shape
    pe = _make_pe(512, EMBED)[:sl]
    comb = (segment_table[:, None, :] + pe[None, :, :]).reshape(N_SEG * sl, EMBED)
    seq_flat = sequence.reshape(-1, CHUNK).astype(jnp.int32)
    seg_flat = segment_label.reshape(-1, CHUNK).astype(jnp.int32)
    out = _sc_embed(seq_flat, seg_flat, token_table, comb)
    return out.reshape(nb, sl, EMBED)

# --- scband reference (transcript-rebuilt; emitter-appended) ---
"""Pipeline reference for scband-bertembedding-7438883357498 (READ-ONLY COPY).

The authoritative reference and input builder live on the scoring server;
editing this copy changes nothing except your own understanding.
"""

import jax, jax.numpy as jnp
import numpy as np

VOCAB = 1000000
EMBED = 64
MAX_LEN = 512
N_SEG = 3


def make_pe(max_len, d):
    position = jnp.arange(max_len, dtype=jnp.float32)[:, None]
    div_term = jnp.exp(jnp.arange(0, d, 2, dtype=jnp.float32) * (-np.log(10000.0) / d))
    pe = jnp.zeros((max_len, d), dtype=jnp.float32)
    pe = pe.at[:, 0::2].set(jnp.sin(position * div_term))
    pe = pe.at[:, 1::2].set(jnp.cos(position * div_term))
    return pe


def setup_inputs(seed: int = 0) -> dict:
    key = jax.random.key(seed)
    k1, k2, k3, k4 = jax.random.split(key, 4)
    sequence = jax.random.randint(k1, (4096, 200), 0, VOCAB, dtype=jnp.int64 if jax.config.jax_enable_x64 else jnp.int32)
    segment_label = jax.random.randint(k2, (4096, 200), 0, N_SEG, dtype=jnp.int64 if jax.config.jax_enable_x64 else jnp.int32)
    token_table = jax.random.normal(k3, (VOCAB, EMBED), dtype=jnp.float32) * 0.02
    segment_table = jax.random.normal(k4, (N_SEG, EMBED), dtype=jnp.float32) * 0.02
    return {"sequence": sequence, "segment_label": segment_label, "token_table": token_table, "segment_table": segment_table}


def reference(sequence, segment_label, token_table, segment_table):
    seq_len = sequence.shape[1]
    pe = make_pe(MAX_LEN, EMBED)  # non-learned sin/cos buffer
    x = pe[None, :seq_len, :]                       # PositionalEmbedding(sequence)
    y = jnp.take(token_table, sequence, axis=0)     # TokenEmbedding gather
    x = x + y
    y2 = jnp.take(segment_table, segment_label, axis=0)  # SegmentEmbedding gather
    x = x + y2
    # is_time=False -> no TimeEmbedding; dropout p=0.0 -> identity
    return x

if __name__ == "__main__":
    import jax
    _d = setup_inputs()
    print(jax.jit(kernel)(*tuple(_d.values())))

</pallas_src>

<mosaic_0001>
#map = affine_map<(d0, d1) -> (0, 0)>
module attributes {stable_mosaic.version = 14 : i64} {
  func.func @_sc_embed(%arg0: i32, %arg1: i32, %arg2: memref<6400x128xi32, #tpu.memory_space<hbm>>, %arg3: memref<6400x128xi32, #tpu.memory_space<hbm>>, %arg4: memref<1000000x64xf32, #tpu.memory_space<hbm>>, %arg5: memref<600x64xf32, #tpu.memory_space<hbm>>, %arg6: memref<819200x64xf32, #tpu.memory_space<hbm>>, %arg7: memref<200x128xi32, #tpu.memory_space<vmem>>, %arg8: memref<200x128xi32, #tpu.memory_space<vmem>>, %arg9: memref<2x128x64xf32, #tpu.memory_space<vmem>>, %arg10: memref<2x128x64xf32, #tpu.memory_space<vmem>>, %arg11: memref<2x128x64xf32, #tpu.memory_space<vmem>>, %arg12: memref<!tpu.dma_semaphore, #tpu.memory_space<semaphore_mem>>, %arg13: memref<!tpu.dma_semaphore, #tpu.memory_space<semaphore_mem>>, %arg14: memref<!tpu.dma_semaphore, #tpu.memory_space<semaphore_mem>>, %arg15: memref<!tpu.dma_semaphore, #tpu.memory_space<semaphore_mem>>, %arg16: memref<!tpu.dma_semaphore, #tpu.memory_space<semaphore_mem>>, %arg17: memref<!tpu.dma_semaphore, #tpu.memory_space<semaphore_mem>>) attributes {dimension_semantics = [#tpu.dimension_semantics<core_parallel>, #tpu.dimension_semantics<subcore_parallel>], iteration_bounds = array<i64: 2, 16>, scalar_prefetch = 0 : i64, scratch_operands = 11 : i64, tpu.core_type = #tpu.core_type<sc_vector_subcore>, window_params = [{transform_indices = #map}, {transform_indices = #map}, {transform_indices = #map}, {transform_indices = #map}, {transform_indices = #map}]} {
    %mul3A = arith.constant 2 : i32
    %mul3A_0 = arith.muli %arg1, %mul3A : i32
    %add3A = arith.addi %mul3A_0, %arg0 : i32
    %mul3A_1 = arith.constant 200 : i32
    %mul3A_2 = arith.muli %add3A, %mul3A_1 : i32
    %iota3A = tpu.iota {dimensions = array<i32: 0>} : vector<16xi32>
    "tpu.region"() ({
      %run_scoped3A = tpu.sem_alloc : memref<!tpu.dma_semaphore, #tpu.memory_space<semaphore_mem>>
      %dma_start3A_103 = arith.constant 0 : i32
      %dma_start3A_104 = tpu.memref_slice %arg2[%mul3A_2, %dma_start3A_103] : memref<6400x128xi32, #tpu.memory_space<hbm>> -> memref<200x128xi32, #tpu.memory_space<hbm>>
      %dma_start3A_105 = arith.constant 0 : i32
      %dma_start3A_106 = tpu.memref_slice %arg2[%mul3A_2, %dma_start3A_105] : memref<6400x128xi32, #tpu.memory_space<hbm>> -> memref<200x128xi32, #tpu.memory_space<hbm>>
      tpu.enqueue_dma source(%dma_start3A_106 : memref<200x128xi32, #tpu.memory_space<hbm>>) target(%arg7 : memref<200x128xi32, #tpu.memory_space<vmem>>) target_semaphore(%run_scoped3A : memref<!tpu.dma_semaphore, #tpu.memory_space<semaphore_mem>>)
      %dma_wait3A_107 = arith.constant 0 : i32
      %dma_wait3A_108 = tpu.memref_slice %arg2[%mul3A_2, %dma_wait3A_107] : memref<6400x128xi32, #tpu.memory_space<hbm>> -> memref<200x128xi32, #tpu.memory_space<hbm>>
      %dma_wait3A_109 = arith.constant 0 : i32
      %dma_wait3A_110 = tpu.memref_slice %arg2[%mul3A_2, %dma_wait3A_109] : memref<6400x128xi32, #tpu.memory_space<hbm>> -> memref<200x128xi32, #tpu.memory_space<hbm>>
      tpu.wait_dma2 semaphore(%run_scoped3A : memref<!tpu.dma_semaphore, #tpu.memory_space<semaphore_mem>>) src(%dma_wait3A_110 : memref<200x128xi32, #tpu.memory_space<hbm>>) dst(%arg7 : memref<200x128xi32, #tpu.memory_space<vmem>>)
      tpu.yield
    }) : () -> ()
    "tpu.region"() ({
      %run_scoped3A = tpu.sem_alloc : memref<!tpu.dma_semaphore, #tpu.memory_space<semaphore_mem>>
      %dma_start3A_103 = arith.constant 0 : i32
      %dma_start3A_104 = tpu.memref_slice %arg3[%mul3A_2, %dma_start3A_103] : memref<6400x128xi32, #tpu.memory_space<hbm>> -> memref<200x128xi32, #tpu.memory_space<hbm>>
      %dma_start3A_105 = arith.constant 0 : i32
      %dma_start3A_106 = tpu.memref_slice %arg3[%mul3A_2, %dma_start3A_105] : memref<6400x128xi32, #tpu.memory_space<hbm>> -> memref<200x128xi32, #tpu.memory_space<hbm>>
      tpu.enqueue_dma source(%dma_start3A_106 : memref<200x128xi32, #tpu.memory_space<hbm>>) target(%arg8 : memref<200x128xi32, #tpu.memory_space<vmem>>) target_semaphore(%run_scoped3A : memref<!tpu.dma_semaphore, #tpu.memory_space<semaphore_mem>>)
      %dma_wait3A_107 = arith.constant 0 : i32
      %dma_wait3A_108 = tpu.memref_slice %arg3[%mul3A_2, %dma_wait3A_107] : memref<6400x128xi32, #tpu.memory_space<hbm>> -> memref<200x128xi32, #tpu.memory_space<hbm>>
      %dma_wait3A_109 = arith.constant 0 : i32
      %dma_wait3A_110 = tpu.memref_slice %arg3[%mul3A_2, %dma_wait3A_109] : memref<6400x128xi32, #tpu.memory_space<hbm>> -> memref<200x128xi32, #tpu.memory_space<hbm>>
      tpu.wait_dma2 semaphore(%run_scoped3A : memref<!tpu.dma_semaphore, #tpu.memory_space<semaphore_mem>>) src(%dma_wait3A_110 : memref<200x128xi32, #tpu.memory_space<hbm>>) dst(%arg8 : memref<200x128xi32, #tpu.memory_space<vmem>>)
      tpu.yield
    }) : () -> ()
    %scan3A = arith.constant 0 : i32
    %scan3A_3 = arith.constant 0 : i32
    %scan3A_4 = arith.constant 200 : i32
    %scan3A_5 = arith.addi %scan3A_3, %scan3A_4 : i32
    %scan3A_6 = arith.constant 1 : i32
    %scan3A_7 = scf.for %scan3A_103 = %scan3A_3 to %scan3A_5 step %scan3A_6 iter_args(%scan3A_104 = %scan3A) -> (i32)  : i32 {
      %mul3A_105 = arith.constant 128 : i32
      %mul3A_106 = arith.muli %scan3A_103, %mul3A_105 : i32
      %add3A_107 = arith.constant 0 : i32
      %add3A_108 = arith.addi %mul3A_106, %add3A_107 : i32
      %rem3A = arith.constant 200 : i32
      %rem3A_109 = arith.remsi %add3A_108, %rem3A : i32
      %add3A_110 = vector.broadcast %rem3A_109 : i32 to vector<16xi32>
      %add3A_111 = arith.addi %add3A_110, %iota3A : vector<16xi32>
      %ge3A = arith.constant 200 : i32
      %ge3A_112 = vector.broadcast %ge3A : i32 to vector<16xi32>
      %ge3A_113 = arith.cmpi sge, %add3A_111, %ge3A_112 : vector<16xi32>
      %sub3A_114 = arith.constant 200 : i32
      %sub3A_115 = vector.broadcast %sub3A_114 : i32 to vector<16xi32>
      %sub3A_116 = arith.subi %add3A_111, %sub3A_115 : vector<16xi32>
      %select_n3A = arith.select %ge3A_113, %sub3A_116, %add3A_111 : vector<16xi1>, vector<16xi32>
      %get3A = arith.index_cast %scan3A_103 : i32 to index
      %get3A_117 = arith.constant 0 : index
      %get3A_118 = tpu.vector_load %arg8[%get3A, %get3A_117] {strides = array<i32>} : memref<200x128xi32, #tpu.memory_space<vmem>>, vector<1x16xi32>,
      %get3A_119 = vector.shape_cast %get3A_118 : vector<1x16xi32> to vector<16xi32>
      %mul3A_120 = arith.constant 200 : i32
      %mul3A_121 = vector.broadcast %mul3A_120 : i32 to vector<16xi32>
      %mul3A_122 = arith.muli %get3A_119, %mul3A_121 : vector<16xi32>
      %add3A_123 = arith.addi %mul3A_122, %select_n3A : vector<16xi32>
      %swap3A = arith.index_cast %scan3A_103 : i32 to index
      %swap3A_124 = arith.constant 0 : index
      %swap3A_125 = tpu.vector_load %arg8[%swap3A, %swap3A_124] {strides = array<i32>} : memref<200x128xi32, #tpu.memory_space<vmem>>, vector<1x16xi32>,
      %swap3A_126 = vector.shape_cast %swap3A_125 : vector<1x16xi32> to vector<16xi32>
      %swap3A_127 = vector.shape_cast %add3A_123 : vector<16xi32> to vector<1x16xi32>
      tpu.vector_store %arg8[%swap3A, %swap3A_124], %swap3A_127 {strides = array<i32>} : memref<200x128xi32, #tpu.memory_space<vmem>>, vector<1x16xi32>,
      %mul3A_128 = arith.constant 128 : i32
      %mul3A_129 = arith.muli %scan3A_103, %mul3A_128 : i32
      %add3A_130 = arith.constant 16 : i32
      %add3A_131 = arith.addi %mul3A_129, %add3A_130 : i32
      %rem3A_132 = arith.constant 200 : i32
      %rem3A_133 = arith.remsi %add3A_131, %rem3A_132 : i32
      %add3A_134 = vector.broadcast %rem3A_133 : i32 to vector<16xi32>
      %add3A_135 = arith.addi %add3A_134, %iota3A : vector<16xi32>
      %ge3A_136 = arith.constant 200 : i32
      %ge3A_137 = vector.broadcast %ge3A_136 : i32 to vector<16xi32>
      %ge3A_138 = arith.cmpi sge, %add3A_135, %ge3A_137 : vector<16xi32>
      %sub3A_139 = arith.constant 200 : i32
      %sub3A_140 = vector.broadcast %sub3A_139 : i32 to vector<16xi32>
      %sub3A_141 = arith.subi %add3A_135, %sub3A_140 : vector<16xi32>
      %select_n3A_142 = arith.select %ge3A_138, %sub3A_141, %add3A_135 : vector<16xi1>, vector<16xi32>
      %get3A_143 = arith.index_cast %scan3A_103 : i32 to index
      %get3A_144 = arith.constant 16 : index
      %get3A_145 = tpu.vector_load %arg8[%get3A_143, %get3A_144] {strides = array<i32>} : memref<200x128xi32, #tpu.memory_space<vmem>>, vector<1x16xi32>,
      %get3A_146 = vector.shape_cast %get3A_145 : vector<1x16xi32> to vector<16xi32>
      %mul3A_147 = arith.constant 200 : i32
      %mul3A_148 = vector.broadcast %mul3A_147 : i32 to vector<16xi32>
      %mul3A_149 = arith.muli %get3A_146, %mul3A_148 : vector<16xi32>
      %add3A_150 = arith.addi %mul3A_149, %select_n3A_142 : vector<16xi32>
      %swap3A_151 = arith.index_cast %scan3A_103 : i32 to index
      %swap3A_152 = arith.constant 16 : index
      %swap3A_153 = tpu.vector_load %arg8[%swap3A_151, %swap3A_152] {strides = array<i32>} : memref<200x128xi32, #tpu.memory_space<vmem>>, vector<1x16xi32>,
      %swap3A_154 = vector.shape_cast %swap3A_153 : vector<1x16xi32> to vector<16xi32>
      %swap3A_155 = vector.shape_cast %add3A_150 : vector<16xi32> to vector<1x16xi32>
      tpu.vector_store %arg8[%swap3A_151, %swap3A_152], %swap3A_155 {strides = array<i32>} : memref<200x128xi32, #tpu.memory_space<vmem>>, vector<1x16xi32>,
      %mul3A_156 = arith.constant 128 : i32
      %mul3A_157 = arith.muli %scan3A_103, %mul3A_156 : i32
      %add3A_158 = arith.constant 32 : i32
      %add3A_159 = arith.addi %mul3A_157, %add3A_158 : i32
      %rem3A_160 = arith.constant 200 : i32
      %rem3A_161 = arith.remsi %add3A_159, %rem3A_160 : i32
      %add3A_162 = vector.broadcast %rem3A_161 : i32 to vector<16xi32>
      %add3A_163 = arith.addi %add3A_162, %iota3A : vector<16xi32>
      %ge3A_164 = arith.constant 200 : i32
      %ge3A_165 = vector.broadcast %ge3A_164 : i32 to vector<16xi32>
      %ge3A_166 = arith.cmpi sge, %add3A_163, %ge3A_165 : vector<16xi32>
      %sub3A_167 = arith.constant 200 : i32
      %sub3A_168 = vector.broadcast %sub3A_167 : i32 to vector<16xi32>
      %sub3A_169 = arith.subi %add3A_163, %sub3A_168 : vector<16xi32>
      %select_n3A_170 = arith.select %ge3A_166, %sub3A_169, %add3A_163 : vector<16xi1>, vector<16xi32>
      %get3A_171 = arith.index_cast %scan3A_103 : i32 to index
      %get3A_172 = arith.constant 32 : index
      %get3A_173 = tpu.vector_load %arg8[%get3A_171, %get3A_172] {strides = array<i32>} : memref<200x128xi32, #tpu.memory_space<vmem>>, vector<1x16xi32>,
      %get3A_174 = vector.shape_cast %get3A_173 : vector<1x16xi32> to vector<16xi32>
      %mul3A_175 = arith.constant 200 : i32
      %mul3A_176 = vector.broadcast %mul3A_175 : i32 to vector<16xi32>
      %mul3A_177 = arith.muli %get3A_174, %mul3A_176 : vector<16xi32>
      %add3A_178 = arith.addi %mul3A_177, %select_n3A_170 : vector<16xi32>
      %swap3A_179 = arith.index_cast %scan3A_103 : i32 to index
      %swap3A_180 = arith.constant 32 : index
      %swap3A_181 = tpu.vector_load %arg8[%swap3A_179, %swap3A_180] {strides = array<i32>} : memref<200x128xi32, #tpu.memory_space<vmem>>, vector<1x16xi32>,
      %swap3A_182 = vector.shape_cast %swap3A_181 : vector<1x16xi32> to vector<16xi32>
      %swap3A_183 = vector.shape_cast %add3A_178 : vector<16xi32> to vector<1x16xi32>
      tpu.vector_store %arg8[%swap3A_179, %swap3A_180], %swap3A_183 {strides = array<i32>} : memref<200x128xi32, #tpu.memory_space<vmem>>, vector<1x16xi32>,
      %mul3A_184 = arith.constant 128 : i32
      %mul3A_185 = arith.muli %scan3A_103, %mul3A_184 : i32
      %add3A_186 = arith.constant 48 : i32
      %add3A_187 = arith.addi %mul3A_185, %add3A_186 : i32
      %rem3A_188 = arith.constant 200 : i32
      %rem3A_189 = arith.remsi %add3A_187, %rem3A_188 : i32
      %add3A_190 = vector.broadcast %rem3A_189 : i32 to vector<16xi32>
      %add3A_191 = arith.addi %add3A_190, %iota3A : vector<16xi32>
      %ge3A_192 = arith.constant 200 : i32
      %ge3A_193 = vector.broadcast %ge3A_192 : i32 to vector<16xi32>
      %ge3A_194 = arith.cmpi sge, %add3A_191, %ge3A_193 : vector<16xi32>
      %sub3A_195 = arith.constant 200 : i32
      %sub3A_196 = vector.broadcast %sub3A_195 : i32 to vector<16xi32>
      %sub3A_197 = arith.subi %add3A_191, %sub3A_196 : vector<16xi32>
      %select_n3A_198 = arith.select %ge3A_194, %sub3A_197, %add3A_191 : vector<16xi1>, vector<16xi32>
      %get3A_199 = arith.index_cast %scan3A_103 : i32 to index
      %get3A_200 = arith.constant 48 : index
      %get3A_201 = tpu.vector_load %arg8[%get3A_199, %get3A_200] {strides = array<i32>} : memref<200x128xi32, #tpu.memory_space<vmem>>, vector<1x16xi32>,
      %get3A_202 = vector.shape_cast %get3A_201 : vector<1x16xi32> to vector<16xi32>
      %mul3A_203 = arith.constant 200 : i32
      %mul3A_204 = vector.broadcast %mul3A_203 : i32 to vector<16xi32>
      %mul3A_205 = arith.muli %get3A_202, %mul3A_204 : vector<16xi32>
      %add3A_206 = arith.addi %mul3A_205, %select_n3A_198 : vector<16xi32>
      %swap3A_207 = arith.index_cast %scan3A_103 : i32 to index
      %swap3A_208 = arith.constant 48 : index
      %swap3A_209 = tpu.vector_load %arg8[%swap3A_207, %swap3A_208] {strides = array<i32>} : memref<200x128xi32, #tpu.memory_space<vmem>>, vector<1x16xi32>,
      %swap3A_210 = vector.shape_cast %swap3A_209 : vector<1x16xi32> to vector<16xi32>
      %swap3A_211 = vector.shape_cast %add3A_206 : vector<16xi32> to vector<1x16xi32>
      tpu.vector_store %arg8[%swap3A_207, %swap3A_208], %swap3A_211 {strides = array<i32>} : memref<200x128xi32, #tpu.memory_space<vmem>>, vector<1x16xi32>,
      %mul3A_212 = arith.constant 128 : i32
      %mul3A_213 = arith.muli %scan3A_103, %mul3A_212 : i32
      %add3A_214 = arith.constant 64 : i32
      %add3A_215 = arith.addi %mul3A_213, %add3A_214 : i32
      %rem3A_216 = arith.constant 200 : i32
      %rem3A_217 = arith.remsi %add3A_215, %rem3A_216 : i32
      %add3A_218 = vector.broadcast %rem3A_217 : i32 to vector<16xi32>
      %add3A_219 = arith.addi %add3A_218, %iota3A : vector<16xi32>
      %ge3A_220 = arith.constant 200 : i32
      %ge3A_221 = vector.broadcast %ge3A_220 : i32 to vector<16xi32>
      %ge3A_222 = arith.cmpi sge, %add3A_219, %ge3A_221 : vector<16xi32>
      %sub3A_223 = arith.constant 200 : i32
      %sub3A_224 = vector.broadcast %sub3A_223 : i32 to vector<16xi32>
      %sub3A_225 = arith.subi %add3A_219, %sub3A_224 : vector<16xi32>
      %select_n3A_226 = arith.select %ge3A_222, %sub3A_225, %add3A_219 : vector<16xi1>, vector<16xi32>
      %get3A_227 = arith.index_cast %scan3A_103 : i32 to index
      %get3A_228 = arith.constant 64 : index
      %get3A_229 = tpu.vector_load %arg8[%get3A_227, %get3A_228] {strides = array<i32>} : memref<200x128xi32, #tpu.memory_space<vmem>>, vector<1x16xi32>,
      %get3A_230 = vector.shape_cast %get3A_229 : vector<1x16xi32> to vector<16xi32>
      %mul3A_231 = arith.constant 200 : i32
      %mul3A_232 = vector.broadcast %mul3A_231 : i32 to vector<16xi32>
      %mul3A_233 = arith.muli %get3A_230, %mul3A_232 : vector<16xi32>
      %add3A_234 = arith.addi %mul3A_233, %select_n3A_226 : vector<16xi32>
      %swap3A_235 = arith.index_cast %scan3A_103 : i32 to index
      %swap3A_236 = arith.constant 64 : index
      %swap3A_237 = tpu.vector_load %arg8[%swap3A_235, %swap3A_236] {strides = array<i32>} : memref<200x128xi32, #tpu.memory_space<vmem>>, vector<1x16xi32>,
      %swap3A_238 = vector.shape_cast %swap3A_237 : vector<1x16xi32> to vector<16xi32>
      %swap3A_239 = vector.shape_cast %add3A_234 : vector<16xi32> to vector<1x16xi32>
      tpu.vector_store %arg8[%swap3A_235, %swap3A_236], %swap3A_239 {strides = array<i32>} : memref<200x128xi32, #tpu.memory_space<vmem>>, vector<1x16xi32>,
      %mul3A_240 = arith.constant 128 : i32
      %mul3A_241 = arith.muli %scan3A_103, %mul3A_240 : i32
      %add3A_242 = arith.constant 80 : i32
      %add3A_243 = arith.addi %mul3A_241, %add3A_242 : i32
      %rem3A_244 = arith.constant 200 : i32
      %rem3A_245 = arith.remsi %add3A_243, %rem3A_244 : i32
      %add3A_246 = vector.broadcast %rem3A_245 : i32 to vector<16xi32>
      %add3A_247 = arith.addi %add3A_246, %iota3A : vector<16xi32>
      %ge3A_248 = arith.constant 200 : i32
      %ge3A_249 = vector.broadcast %ge3A_248 : i32 to vector<16xi32>
      %ge3A_250 = arith.cmpi sge, %add3A_247, %ge3A_249 : vector<16xi32>
      %sub3A_251 = arith.constant 200 : i32
      %sub3A_252 = vector.broadcast %sub3A_251 : i32 to vector<16xi32>
      %sub3A_253 = arith.subi %add3A_247, %sub3A_252 : vector<16xi32>
      %select_n3A_254 = arith.select %ge3A_250, %sub3A_253, %add3A_247 : vector<16xi1>, vector<16xi32>
      %get3A_255 = arith.index_cast %scan3A_103 : i32 to index
      %get3A_256 = arith.constant 80 : index
      %get3A_257 = tpu.vector_load %arg8[%get3A_255, %get3A_256] {strides = array<i32>} : memref<200x128xi32, #tpu.memory_space<vmem>>, vector<1x16xi32>,
      %get3A_258 = vector.shape_cast %get3A_257 : vector<1x16xi32> to vector<16xi32>
      %mul3A_259 = arith.constant 200 : i32
      %mul3A_260 = vector.broadcast %mul3A_259 : i32 to vector<16xi32>
      %mul3A_261 = arith.muli %get3A_258, %mul3A_260 : vector<16xi32>
      %add3A_262 = arith.addi %mul3A_261, %select_n3A_254 : vector<16xi32>
      %swap3A_263 = arith.index_cast %scan3A_103 : i32 to index
      %swap3A_264 = arith.constant 80 : index
      %swap3A_265 = tpu.vector_load %arg8[%swap3A_263, %swap3A_264] {strides = array<i32>} : memref<200x128xi32, #tpu.memory_space<vmem>>, vector<1x16xi32>,
      %swap3A_266 = vector.shape_cast %swap3A_265 : vector<1x16xi32> to vector<16xi32>
      %swap3A_267 = vector.shape_cast %add3A_262 : vector<16xi32> to vector<1x16xi32>
      tpu.vector_store %arg8[%swap3A_263, %swap3A_264], %swap3A_267 {strides = array<i32>} : memref<200x128xi32, #tpu.memory_space<vmem>>, vector<1x16xi32>,
      %mul3A_268 = arith.constant 128 : i32
      %mul3A_269 = arith.muli %scan3A_103, %mul3A_268 : i32
      %add3A_270 = arith.constant 96 : i32
      %add3A_271 = arith.addi %mul3A_269, %add3A_270 : i32
      %rem3A_272 = arith.constant 200 : i32
      %rem3A_273 = arith.remsi %add3A_271, %rem3A_272 : i32
      %add3A_274 = vector.broadcast %rem3A_273 : i32 to vector<16xi32>
      %add3A_275 = arith.addi %add3A_274, %iota3A : vector<16xi32>
      %ge3A_276 = arith.constant 200 : i32
      %ge3A_277 = vector.broadcast %ge3A_276 : i32 to vector<16xi32>
      %ge3A_278 = arith.cmpi sge, %add3A_275, %ge3A_277 : vector<16xi32>
      %sub3A_279 = arith.constant 200 : i32
      %sub3A_280 = vector.broadcast %sub3A_279 : i32 to vector<16xi32>
      %sub3A_281 = arith.subi %add3A_275, %sub3A_280 : vector<16xi32>
      %select_n3A_282 = arith.select %ge3A_278, %sub3A_281, %add3A_275 : vector<16xi1>, vector<16xi32>
      %get3A_283 = arith.index_cast %scan3A_103 : i32 to index
      %get3A_284 = arith.constant 96 : index
      %get3A_285 = tpu.vector_load %arg8[%get3A_283, %get3A_284] {strides = array<i32>} : memref<200x128xi32, #tpu.memory_space<vmem>>, vector<1x16xi32>,
      %get3A_286 = vector.shape_cast %get3A_285 : vector<1x16xi32> to vector<16xi32>
      %mul3A_287 = arith.constant 200 : i32
      %mul3A_288 = vector.broadcast %mul3A_287 : i32 to vector<16xi32>
      %mul3A_289 = arith.muli %get3A_286, %mul3A_288 : vector<16xi32>
      %add3A_290 = arith.addi %mul3A_289, %select_n3A_282 : vector<16xi32>
      %swap3A_291 = arith.index_cast %scan3A_103 : i32 to index
      %swap3A_292 = arith.constant 96 : index
      %swap3A_293 = tpu.vector_load %arg8[%swap3A_291, %swap3A_292] {strides = array<i32>} : memref<200x128xi32, #tpu.memory_space<vmem>>, vector<1x16xi32>,
      %swap3A_294 = vector.shape_cast %swap3A_293 : vector<1x16xi32> to vector<16xi32>
      %swap3A_295 = vector.shape_cast %add3A_290 : vector<16xi32> to vector<1x16xi32>
      tpu.vector_store %arg8[%swap3A_291, %swap3A_292], %swap3A_295 {strides = array<i32>} : memref<200x128xi32, #tpu.memory_space<vmem>>, vector<1x16xi32>,
      %mul3A_296 = arith.constant 128 : i32
      %mul3A_297 = arith.muli %scan3A_103, %mul3A_296 : i32
      %add3A_298 = arith.constant 112 : i32
      %add3A_299 = arith.addi %mul3A_297, %add3A_298 : i32
      %rem3A_300 = arith.constant 200 : i32
      %rem3A_301 = arith.remsi %add3A_299, %rem3A_300 : i32
      %add3A_302 = vector.broadcast %rem3A_301 : i32 to vector<16xi32>
      %add3A_303 = arith.addi %add3A_302, %iota3A : vector<16xi32>
      %ge3A_304 = arith.constant 200 : i32
      %ge3A_305 = vector.broadcast %ge3A_304 : i32 to vector<16xi32>
      %ge3A_306 = arith.cmpi sge, %add3A_303, %ge3A_305 : vector<16xi32>
      %sub3A_307 = arith.constant 200 : i32
      %sub3A_308 = vector.broadcast %sub3A_307 : i32 to vector<16xi32>
      %sub3A_309 = arith.subi %add3A_303, %sub3A_308 : vector<16xi32>
      %select_n3A_310 = arith.select %ge3A_306, %sub3A_309, %add3A_303 : vector<16xi1>, vector<16xi32>
      %get3A_311 = arith.index_cast %scan3A_103 : i32 to index
      %get3A_312 = arith.constant 112 : index
      %get3A_313 = tpu.vector_load %arg8[%get3A_311, %get3A_312] {strides = array<i32>} : memref<200x128xi32, #tpu.memory_space<vmem>>, vector<1x16xi32>,
      %get3A_314 = vector.shape_cast %get3A_313 : vector<1x16xi32> to vector<16xi32>
      %mul3A_315 = arith.constant 200 : i32
      %mul3A_316 = vector.broadcast %mul3A_315 : i32 to vector<16xi32>
      %mul3A_317 = arith.muli %get3A_314, %mul3A_316 : vector<16xi32>
      %add3A_318 = arith.addi %mul3A_317, %select_n3A_310 : vector<16xi32>
      %swap3A_319 = arith.index_cast %scan3A_103 : i32 to index
      %swap3A_320 = arith.constant 112 : index
      %swap3A_321 = tpu.vector_load %arg8[%swap3A_319, %swap3A_320] {strides = array<i32>} : memref<200x128xi32, #tpu.memory_space<vmem>>, vector<1x16xi32>,
      %swap3A_322 = vector.shape_cast %swap3A_321 : vector<1x16xi32> to vector<16xi32>
      %swap3A_323 = vector.shape_cast %add3A_318 : vector<16xi32> to vector<1x16xi32>
      tpu.vector_store %arg8[%swap3A_319, %swap3A_320], %swap3A_323 {strides = array<i32>} : memref<200x128xi32, #tpu.memory_space<vmem>>, vector<1x16xi32>,
      %scan3A_324 = arith.constant 0 : i32
      scf.yield %scan3A_324 : i32
    }
    %scan3A_8 = arith.constant 200 : i32
    %dma_start3A = arith.constant 0 : i32
    %dma_start3A_9 = arith.constant 0 : i32
    %dma_start3A_10 = arith.constant 0 : i32
    %dma_start3A_11 = arith.constant 0 : i32
    %dma_start3A_12 = tpu.memref_slice %arg9[%dma_start3A_9, %dma_start3A_10, %dma_start3A_11] : memref<2x128x64xf32, #tpu.memory_space<vmem>> -> memref<1x128x64xf32, #tpu.memory_space<vmem>>
    %dma_start3A_13 = tpu.memref_squeeze %dma_start3A_12 : memref<1x128x64xf32, #tpu.memory_space<vmem>> -> memref<128x64xf32, #tpu.memory_space<vmem>>
    %dma_start3A_14 = arith.constant 0 : i32
    %dma_start3A_15 = tpu.memref_slice %arg7[%dma_start3A, %dma_start3A_14] : memref<200x128xi32, #tpu.memory_space<vmem>> -> memref<1x128xi32, #tpu.memory_space<vmem>>
    %dma_start3A_16 = tpu.memref_squeeze %dma_start3A_15 : memref<1x128xi32, #tpu.memory_space<vmem>> -> memref<128xi32, #tpu.memory_space<vmem>>
    %dma_start3A_17 = arith.constant 0 : i32
    %dma_start3A_18 = arith.constant 0 : i32
    %dma_start3A_19 = tpu.memref_slice %arg4[%dma_start3A_17, %dma_start3A_18] : memref<1000000x64xf32, #tpu.memory_space<hbm>> -> memref<1000000x64xf32, #tpu.memory_space<hbm>>
    tpu.enqueue_indirect_dma source(%dma_start3A_19 : memref<1000000x64xf32, #tpu.memory_space<hbm>>) target(%dma_start3A_13 : memref<128x64xf32, #tpu.memory_space<vmem>>) offsets(%dma_start3A_16 : memref<128xi32, #tpu.memory_space<vmem>>) semaphore(%arg12 : memref<!tpu.dma_semaphore, #tpu.memory_space<semaphore_mem>>)
    %dma_start3A_20 = arith.constant 0 : i32
    %dma_start3A_21 = arith.constant 0 : i32
    %dma_start3A_22 = arith.constant 0 : i32
    %dma_start3A_23 = arith.constant 0 : i32
    %dma_start3A_24 = tpu.memref_slice %arg10[%dma_start3A_21, %dma_start3A_22, %dma_start3A_23] : memref<2x128x64xf32, #tpu.memory_space<vmem>> -> memref<1x128x64xf32, #tpu.memory_space<vmem>>
    %dma_start3A_25 = tpu.memref_squeeze %dma_start3A_24 : memref<1x128x64xf32, #tpu.memory_space<vmem>> -> memref<128x64xf32, #tpu.memory_space<vmem>>
    %dma_start3A_26 = arith.constant 0 : i32
    %dma_start3A_27 = tpu.memref_slice %arg8[%dma_start3A_20, %dma_start3A_26] : memref<200x128xi32, #tpu.memory_space<vmem>> -> memref<1x128xi32, #tpu.memory_space<vmem>>
    %dma_start3A_28 = tpu.memref_squeeze %dma_start3A_27 : memref<1x128xi32, #tpu.memory_space<vmem>> -> memref<128xi32, #tpu.memory_space<vmem>>
    %dma_start3A_29 = arith.constant 0 : i32
    %dma_start3A_30 = arith.constant 0 : i32
    %dma_start3A_31 = tpu.memref_slice %arg5[%dma_start3A_29, %dma_start3A_30] : memref<600x64xf32, #tpu.memory_space<hbm>> -> memref<600x64xf32, #tpu.memory_space<hbm>>
    tpu.enqueue_indirect_dma source(%dma_start3A_31 : memref<600x64xf32, #tpu.memory_space<hbm>>) target(%dma_start3A_25 : memref<128x64xf32, #tpu.memory_space<vmem>>) offsets(%dma_start3A_28 : memref<128xi32, #tpu.memory_space<vmem>>) semaphore(%arg14 : memref<!tpu.dma_semaphore, #tpu.memory_space<semaphore_mem>>)
    %dma_start3A_32 = arith.constant 1 : i32
    %dma_start3A_33 = arith.constant 1 : i32
    %dma_start3A_34 = arith.constant 0 : i32
    %dma_start3A_35 = arith.constant 0 : i32
    %dma_start3A_36 = tpu.memref_slice %arg9[%dma_start3A_33, %dma_start3A_34, %dma_start3A_35] : memref<2x128x64xf32, #tpu.memory_space<vmem>> -> memref<1x128x64xf32, #tpu.memory_space<vmem>>
    %dma_start3A_37 = tpu.memref_squeeze %dma_start3A_36 : memref<1x128x64xf32, #tpu.memory_space<vmem>> -> memref<128x64xf32, #tpu.memory_space<vmem>>
    %dma_start3A_38 = arith.constant 0 : i32
    %dma_start3A_39 = tpu.memref_slice %arg7[%dma_start3A_32, %dma_start3A_38] : memref<200x128xi32, #tpu.memory_space<vmem>> -> memref<1x128xi32, #tpu.memory_space<vmem>>
    %dma_start3A_40 = tpu.memref_squeeze %dma_start3A_39 : memref<1x128xi32, #tpu.memory_space<vmem>> -> memref<128xi32, #tpu.memory_space<vmem>>
    %dma_start3A_41 = arith.constant 0 : i32
    %dma_start3A_42 = arith.constant 0 : i32
    %dma_start3A_43 = tpu.memref_slice %arg4[%dma_start3A_41, %dma_start3A_42] : memref<1000000x64xf32, #tpu.memory_space<hbm>> -> memref<1000000x64xf32, #tpu.memory_space<hbm>>
    tpu.enqueue_indirect_dma source(%dma_start3A_43 : memref<1000000x64xf32, #tpu.memory_space<hbm>>) target(%dma_start3A_37 : memref<128x64xf32, #tpu.memory_space<vmem>>) offsets(%dma_start3A_40 : memref<128xi32, #tpu.memory_space<vmem>>) semaphore(%arg13 : memref<!tpu.dma_semaphore, #tpu.memory_space<semaphore_mem>>)
    %dma_start3A_44 = arith.constant 1 : i32
    %dma_start3A_45 = arith.constant 1 : i32
    %dma_start3A_46 = arith.constant 0 : i32
    %dma_start3A_47 = arith.constant 0 : i32
    %dma_start3A_48 = tpu.memref_slice %arg10[%dma_start3A_45, %dma_start3A_46, %dma_start3A_47] : memref<2x128x64xf32, #tpu.memory_space<vmem>> -> memref<1x128x64xf32, #tpu.memory_space<vmem>>
    %dma_start3A_49 = tpu.memref_squeeze %dma_start3A_48 : memref<1x128x64xf32, #tpu.memory_space<vmem>> -> memref<128x64xf32, #tpu.memory_space<vmem>>
    %dma_start3A_50 = arith.constant 0 : i32
    %dma_start3A_51 = tpu.memref_slice %arg8[%dma_start3A_44, %dma_start3A_50] : memref<200x128xi32, #tpu.memory_space<vmem>> -> memref<1x128xi32, #tpu.memory_space<vmem>>
    %dma_start3A_52 = tpu.memref_squeeze %dma_start3A_51 : memref<1x128xi32, #tpu.memory_space<vmem>> -> memref<128xi32, #tpu.memory_space<vmem>>
    %dma_start3A_53 = arith.constant 0 : i32
    %dma_start3A_54 = arith.constant 0 : i32
    %dma_start3A_55 = tpu.memref_slice %arg5[%dma_start3A_53, %dma_start3A_54] : memref<600x64xf32, #tpu.memory_space<hbm>> -> memref<600x64xf32, #tpu.memory_space<hbm>>
    tpu.enqueue_indirect_dma source(%dma_start3A_55 : memref<600x64xf32, #tpu.memory_space<hbm>>) target(%dma_start3A_49 : memref<128x64xf32, #tpu.memory_space<vmem>>) offsets(%dma_start3A_52 : memref<128xi32, #tpu.memory_space<vmem>>) semaphore(%arg15 : memref<!tpu.dma_semaphore, #tpu.memory_space<semaphore_mem>>)
    %scan3A_56 = arith.constant 0 : i32
    %scan3A_57 = arith.constant 0 : i32
    %scan3A_58 = arith.constant 100 : i32
    %scan3A_59 = arith.addi %scan3A_57, %scan3A_58 : i32
    %scan3A_60 = arith.constant 1 : i32
    %scan3A_61 = scf.for %scan3A_103 = %scan3A_57 to %scan3A_59 step %scan3A_60 iter_args(%scan3A_104 = %scan3A_56) -> (i32)  : i32 {
      %mul3A_105 = arith.constant 2 : i32
      %mul3A_106 = arith.muli %scan3A_103, %mul3A_105 : i32
      %add3A_107 = arith.constant 0 : i32
      %add3A_108 = arith.addi %mul3A_106, %add3A_107 : i32
      %dma_wait3A_109 = arith.constant 0 : i32
      %dma_wait3A_110 = arith.constant 0 : i32
      %dma_wait3A_111 = arith.constant 0 : i32
      %dma_wait3A_112 = tpu.memref_slice %arg9[%dma_wait3A_109, %dma_wait3A_110, %dma_wait3A_111] : memref<2x128x64xf32, #tpu.memory_space<vmem>> -> memref<1x128x64xf32, #tpu.memory_space<vmem>>
      %dma_wait3A_113 = tpu.memref_squeeze %dma_wait3A_112 : memref<1x128x64xf32, #tpu.memory_space<vmem>> -> memref<128x64xf32, #tpu.memory_space<vmem>>
      %dma_wait3A_114 = arith.constant 0 : i32
      %dma_wait3A_115 = tpu.memref_slice %arg7[%add3A_108, %dma_wait3A_114] : memref<200x128xi32, #tpu.memory_space<vmem>> -> memref<1x128xi32, #tpu.memory_space<vmem>>
      %dma_wait3A_116 = tpu.memref_squeeze %dma_wait3A_115 : memref<1x128xi32, #tpu.memory_space<vmem>> -> memref<128xi32, #tpu.memory_space<vmem>>
      %dma_wait3A_117 = arith.constant 0 : i32
      %dma_wait3A_118 = arith.constant 0 : i32
      %dma_wait3A_119 = tpu.memref_slice %arg4[%dma_wait3A_117, %dma_wait3A_118] : memref<1000000x64xf32, #tpu.memory_space<hbm>> -> memref<1000000x64xf32, #tpu.memory_space<hbm>>
      tpu.wait_indirect_dma semaphore(%arg12 : memref<!tpu.dma_semaphore, #tpu.memory_space<semaphore_mem>>) src(%dma_wait3A_119 : memref<1000000x64xf32, #tpu.memory_space<hbm>>) dst(%dma_wait3A_113 : memref<128x64xf32, #tpu.memory_space<vmem>>)
      %dma_wait3A_120 = arith.constant 0 : i32
      %dma_wait3A_121 = arith.constant 0 : i32
      %dma_wait3A_122 = arith.constant 0 : i32
      %dma_wait3A_123 = tpu.memref_slice %arg10[%dma_wait3A_120, %dma_wait3A_121, %dma_wait3A_122] : memref<2x128x64xf32, #tpu.memory_space<vmem>> -> memref<1x128x64xf32, #tpu.memory_space<vmem>>
      %dma_wait3A_124 = tpu.memref_squeeze %dma_wait3A_123 : memref<1x128x64xf32, #tpu.memory_space<vmem>> -> memref<128x64xf32, #tpu.memory_space<vmem>>
      %dma_wait3A_125 = arith.constant 0 : i32
      %dma_wait3A_126 = tpu.memref_slice %arg8[%add3A_108, %dma_wait3A_125] : memref<200x128xi32, #tpu.memory_space<vmem>> -> memref<1x128xi32, #tpu.memory_space<vmem>>
      %dma_wait3A_127 = tpu.memref_squeeze %dma_wait3A_126 : memref<1x128xi32, #tpu.memory_space<vmem>> -> memref<128xi32, #tpu.memory_space<vmem>>
      %dma_wait3A_128 = arith.constant 0 : i32
      %dma_wait3A_129 = arith.constant 0 : i32
      %dma_wait3A_130 = tpu.memref_slice %arg5[%dma_wait3A_128, %dma_wait3A_129] : memref<600x64xf32, #tpu.memory_space<hbm>> -> memref<600x64xf32, #tpu.memory_space<hbm>>
      tpu.wait_indirect_dma semaphore(%arg14 : memref<!tpu.dma_semaphore, #tpu.memory_space<semaphore_mem>>) src(%dma_wait3A_130 : memref<600x64xf32, #tpu.memory_space<hbm>>) dst(%dma_wait3A_124 : memref<128x64xf32, #tpu.memory_space<vmem>>)
      %add3A_131 = arith.addi %mul3A_2, %add3A_108 : i32
      %mul3A_132 = arith.constant 128 : i32
      %mul3A_133 = arith.muli %add3A_131, %mul3A_132 : i32
      %ge3A = arith.constant 1 : i32
      %ge3A_134 = arith.cmpi sge, %scan3A_103, %ge3A : i32
      %convert_element_type3A = arith.extui %ge3A_134 : i1 to i32
      %cond3A = arith.constant 0 : i32
      %cond3A_135 = arith.cmpi ne, %convert_element_type3A, %cond3A : i32
      scf.if %cond3A_135 {
        %add3A_220 = arith.addi %mul3A_2, %add3A_108 : i32
        %sub3A_221 = arith.constant 2 : i32
        %sub3A_222 = arith.subi %add3A_220, %sub3A_221 : i32
        %mul3A_223 = arith.constant 128 : i32
        %mul3A_224 = arith.muli %sub3A_222, %mul3A_223 : i32
        %dma_wait3A_225 = arith.constant 0 : i32
        %dma_wait3A_226 = arith.constant 0 : i32
        %dma_wait3A_227 = arith.constant 0 : i32
        %dma_wait3A_228 = tpu.memref_slice %arg11[%dma_wait3A_225, %dma_wait3A_226, %dma_wait3A_227] : memref<2x128x64xf32, #tpu.memory_space<vmem>> -> memref<1x128x64xf32, #tpu.memory_space<vmem>>
        %dma_wait3A_229 = tpu.memref_squeeze %dma_wait3A_228 : memref<1x128x64xf32, #tpu.memory_space<vmem>> -> memref<128x64xf32, #tpu.memory_space<vmem>>
        %dma_wait3A_230 = arith.constant 0 : i32
        %dma_wait3A_231 = tpu.memref_slice %arg6[%mul3A_224, %dma_wait3A_230] : memref<819200x64xf32, #tpu.memory_space<hbm>> -> memref<128x64xf32, #tpu.memory_space<hbm>>
        %dma_wait3A_232 = arith.constant 0 : i32
        %dma_wait3A_233 = tpu.memref_slice %arg6[%mul3A_224, %dma_wait3A_232] : memref<819200x64xf32, #tpu.memory_space<hbm>> -> memref<128x64xf32, #tpu.memory_space<hbm>>
        %dma_wait3A_234 = arith.constant 0 : i32
        %dma_wait3A_235 = arith.constant 0 : i32
        %dma_wait3A_236 = tpu.memref_slice %arg11[%dma_wait3A_225, %dma_wait3A_234, %dma_wait3A_235] : memref<2x128x64xf32, #tpu.memory_space<vmem>> -> memref<1x128x64xf32, #tpu.memory_space<vmem>>
        %dma_wait3A_237 = tpu.memref_squeeze %dma_wait3A_236 : memref<1x128x64xf32, #tpu.memory_space<vmem>> -> memref<128x64xf32, #tpu.memory_space<vmem>>
        tpu.wait_dma2 semaphore(%arg16 : memref<!tpu.dma_semaphore, #tpu.memory_space<semaphore_mem>>) src(%dma_wait3A_237 : memref<128x64xf32, #tpu.memory_space<vmem>>) dst(%dma_wait3A_233 : memref<128x64xf32, #tpu.memory_space<hbm>>)
      } else {
      }
      %scan3A_136 = arith.constant 0 : i32
      %scan3A_137 = arith.constant 0 : i32
      %scan3A_138 = arith.constant 32 : i32
      %scan3A_139 = arith.addi %scan3A_137, %scan3A_138 : i32
      %scan3A_140 = arith.constant 1 : i32
      %scan3A_141 = scf.for %scan3A_220 = %scan3A_137 to %scan3A_139 step %scan3A_140 iter_args(%scan3A_221 = %scan3A_136) -> (i32)  : i32 {
        %mul3A_222 = arith.constant 4 : i32
        %mul3A_223 = arith.muli %scan3A_220, %mul3A_222 : i32
        %add3A_224 = arith.constant 0 : i32
        %add3A_225 = arith.addi %mul3A_223, %add3A_224 : i32
        %get3A = arith.constant 0 : i32
        %get3A_226 = arith.index_cast %get3A : i32 to index
        %get3A_227 = arith.index_cast %add3A_225 : i32 to index
        %get3A_228 = arith.constant 0 : index
        %get3A_229 = tpu.vector_load %arg9[%get3A_226, %get3A_227, %get3A_228] {strides = array<i32>} : memref<2x128x64xf32, #tpu.memory_space<vmem>>, vector<1x1x16xf32>,
        %get3A_230 = vector.shape_cast %get3A_229 : vector<1x1x16xf32> to vector<16xf32>
        %mul3A_231 = arith.constant 4 : i32
        %mul3A_232 = arith.muli %scan3A_220, %mul3A_231 : i32
        %add3A_233 = arith.constant 0 : i32
        %add3A_234 = arith.addi %mul3A_232, %add3A_233 : i32
        %get3A_235 = arith.constant 0 : i32
        %get3A_236 = arith.index_cast %get3A_235 : i32 to index
        %get3A_237 = arith.index_cast %add3A_234 : i32 to index
        %get3A_238 = arith.constant 0 : index
        %get3A_239 = tpu.vector_load %arg10[%get3A_236, %get3A_237, %get3A_238] {strides = array<i32>} : memref<2x128x64xf32, #tpu.memory_space<vmem>>, vector<1x1x16xf32>,
        %get3A_240 = vector.shape_cast %get3A_239 : vector<1x1x16xf32> to vector<16xf32>
        %add3A_241 = arith.addf %get3A_230, %get3A_240 : vector<16xf32>
        %mul3A_242 = arith.constant 4 : i32
        %mul3A_243 = arith.muli %scan3A_220, %mul3A_242 : i32
        %add3A_244 = arith.constant 0 : i32
        %add3A_245 = arith.addi %mul3A_243, %add3A_244 : i32
        %swap3A = arith.constant 0 : i32
        %swap3A_246 = arith.index_cast %swap3A : i32 to index
        %swap3A_247 = arith.index_cast %add3A_245 : i32 to index
        %swap3A_248 = arith.constant 0 : index
        %swap3A_249 = tpu.vector_load %arg11[%swap3A_246, %swap3A_247, %swap3A_248] {strides = array<i32>} : memref<2x128x64xf32, #tpu.memory_space<vmem>>, vector<1x1x16xf32>,
        %swap3A_250 = vector.shape_cast %swap3A_249 : vector<1x1x16xf32> to vector<16xf32>
        %swap3A_251 = vector.shape_cast %add3A_241 : vector<16xf32> to vector<1x1x16xf32>
        tpu.vector_store %arg11[%swap3A_246, %swap3A_247, %swap3A_248], %swap3A_251 {strides = array<i32>} : memref<2x128x64xf32, #tpu.memory_space<vmem>>, vector<1x1x16xf32>,
        %mul3A_252 = arith.constant 4 : i32
        %mul3A_253 = arith.muli %scan3A_220, %mul3A_252 : i32
        %add3A_254 = arith.constant 0 : i32
        %add3A_255 = arith.addi %mul3A_253, %add3A_254 : i32
        %get3A_256 = arith.constant 0 : i32
        %get3A_257 = arith.index_cast %get3A_256 : i32 to index
        %get3A_258 = arith.index_cast %add3A_255 : i32 to index
        %get3A_259 = arith.constant 16 : index
        %get3A_260 = tpu.vector_load %arg9[%get3A_257, %get3A_258, %get3A_259] {strides = array<i32>} : memref<2x128x64xf32, #tpu.memory_space<vmem>>, vector<1x1x16xf32>,
        %get3A_261 = vector.shape_cast %get3A_260 : vector<1x1x16xf32> to vector<16xf32>
        %mul3A_262 = arith.constant 4 : i32
        %mul3A_263 = arith.muli %scan3A_220, %mul3A_262 : i32
        %add3A_264 = arith.constant 0 : i32
        %add3A_265 = arith.addi %mul3A_263, %add3A_264 : i32
        %get3A_266 = arith.constant 0 : i32
        %get3A_267 = arith.index_cast %get3A_266 : i32 to index
        %get3A_268 = arith.index_cast %add3A_265 : i32 to index
        %get3A_269 = arith.constant 16 : index
        %get3A_270 = tpu.vector_load %arg10[%get3A_267, %get3A_268, %get3A_269] {strides = array<i32>} : memref<2x128x64xf32, #tpu.memory_space<vmem>>, vector<1x1x16xf32>,
        %get3A_271 = vector.shape_cast %get3A_270 : vector<1x1x16xf32> to vector<16xf32>
        %add3A_272 = arith.addf %get3A_261, %get3A_271 : vector<16xf32>
        %mul3A_273 = arith.constant 4 : i32
        %mul3A_274 = arith.muli %scan3A_220, %mul3A_273 : i32
        %add3A_275 = arith.constant 0 : i32
        %add3A_276 = arith.addi %mul3A_274, %add3A_275 : i32
        %swap3A_277 = arith.constant 0 : i32
        %swap3A_278 = arith.index_cast %swap3A_277 : i32 to index
        %swap3A_279 = arith.index_cast %add3A_276 : i32 to index
        %swap3A_280 = arith.constant 16 : index
        %swap3A_281 = tpu.vector_load %arg11[%swap3A_278, %swap3A_279, %swap3A_280] {strides = array<i32>} : memref<2x128x64xf32, #tpu.memory_space<vmem>>, vector<1x1x16xf32>,
        %swap3A_282 = vector.shape_cast %swap3A_281 : vector<1x1x16xf32> to vector<16xf32>
        %swap3A_283 = vector.shape_cast %add3A_272 : vector<16xf32> to vector<1x1x16xf32>
        tpu.vector_store %arg11[%swap3A_278, %swap3A_279, %swap3A_280], %swap3A_283 {strides = array<i32>} : memref<2x128x64xf32, #tpu.memory_space<vmem>>, vector<1x1x16xf32>,
        %mul3A_284 = arith.constant 4 : i32
        %mul3A_285 = arith.muli %scan3A_220, %mul3A_284 : i32
        %add3A_286 = arith.constant 0 : i32
        %add3A_287 = arith.addi %mul3A_285, %add3A_286 : i32
        %get3A_288 = arith.constant 0 : i32
        %get3A_289 = arith.index_cast %get3A_288 : i32 to index
        %get3A_290 = arith.index_cast %add3A_287 : i32 to index
        %get3A_291 = arith.constant 32 : index
        %get3A_292 = tpu.vector_load %arg9[%get3A_289, %get3A_290, %get3A_291] {strides = array<i32>} : memref<2x128x64xf32, #tpu.memory_space<vmem>>, vector<1x1x16xf32>,
        %get3A_293 = vector.shape_cast %get3A_292 : vector<1x1x16xf32> to vector<16xf32>
        %mul3A_294 = arith.constant 4 : i32
        %mul3A_295 = arith.muli %scan3A_220, %mul3A_294 : i32
        %add3A_296 = arith.constant 0 : i32
        %add3A_297 = arith.addi %mul3A_295, %add3A_296 : i32
        %get3A_298 = arith.constant 0 : i32
        %get3A_299 = arith.index_cast %get3A_298 : i32 to index
        %get3A_300 = arith.index_cast %add3A_297 : i32 to index
        %get3A_301 = arith.constant 32 : index
        %get3A_302 = tpu.vector_load %arg10[%get3A_299, %get3A_300, %get3A_301] {strides = array<i32>} : memref<2x128x64xf32, #tpu.memory_space<vmem>>, vector<1x1x16xf32>,
        %get3A_303 = vector.shape_cast %get3A_302 : vector<1x1x16xf32> to vector<16xf32>
        %add3A_304 = arith.addf %get3A_293, %get3A_303 : vector<16xf32>
        %mul3A_305 = arith.constant 4 : i32
        %mul3A_306 = arith.muli %scan3A_220, %mul3A_305 : i32
        %add3A_307 = arith.constant 0 : i32
        %add3A_308 = arith.addi %mul3A_306, %add3A_307 : i32
        %swap3A_309 = arith.constant 0 : i32
        %swap3A_310 = arith.index_cast %swap3A_309 : i32 to index
        %swap3A_311 = arith.index_cast %add3A_308 : i32 to index
        %swap3A_312 = arith.constant 32 : index
        %swap3A_313 = tpu.vector_load %arg11[%swap3A_310, %swap3A_311, %swap3A_312] {strides = array<i32>} : memref<2x128x64xf32, #tpu.memory_space<vmem>>, vector<1x1x16xf32>,
        %swap3A_314 = vector.shape_cast %swap3A_313 : vector<1x1x16xf32> to vector<16xf32>
        %swap3A_315 = vector.shape_cast %add3A_304 : vector<16xf32> to vector<1x1x16xf32>
        tpu.vector_store %arg11[%swap3A_310, %swap3A_311, %swap3A_312], %swap3A_315 {strides = array<i32>} : memref<2x128x64xf32, #tpu.memory_space<vmem>>, vector<1x1x16xf32>,
        %mul3A_316 = arith.constant 4 : i32
        %mul3A_317 = arith.muli %scan3A_220, %mul3A_316 : i32
        %add3A_318 = arith.constant 0 : i32
        %add3A_319 = arith.addi %mul3A_317, %add3A_318 : i32
        %get3A_320 = arith.constant 0 : i32
        %get3A_321 = arith.index_cast %get3A_320 : i32 to index
        %get3A_322 = arith.index_cast %add3A_319 : i32 to index
        %get3A_323 = arith.constant 48 : index
        %get3A_324 = tpu.vector_load %arg9[%get3A_321, %get3A_322, %get3A_323] {strides = array<i32>} : memref<2x128x64xf32, #tpu.memory_space<vmem>>, vector<1x1x16xf32>,
        %get3A_325 = vector.shape_cast %get3A_324 : vector<1x1x16xf32> to vector<16xf32>
        %mul3A_326 = arith.constant 4 : i32
        %mul3A_327 = arith.muli %scan3A_220, %mul3A_326 : i32
        %add3A_328 = arith.constant 0 : i32
        %add3A_329 = arith.addi %mul3A_327, %add3A_328 : i32
        %get3A_330 = arith.constant 0 : i32
        %get3A_331 = arith.index_cast %get3A_330 : i32 to index
        %get3A_332 = arith.index_cast %add3A_329 : i32 to index
        %get3A_333 = arith.constant 48 : index
        %get3A_334 = tpu.vector_load %arg10[%get3A_331, %get3A_332, %get3A_333] {strides = array<i32>} : memref<2x128x64xf32, #tpu.memory_space<vmem>>, vector<1x1x16xf32>,
        %get3A_335 = vector.shape_cast %get3A_334 : vector<1x1x16xf32> to vector<16xf32>
        %add3A_336 = arith.addf %get3A_325, %get3A_335 : vector<16xf32>
        %mul3A_337 = arith.constant 4 : i32
        %mul3A_338 = arith.muli %scan3A_220, %mul3A_337 : i32
        %add3A_339 = arith.constant 0 : i32
        %add3A_340 = arith.addi %mul3A_338, %add3A_339 : i32
        %swap3A_341 = arith.constant 0 : i32
        %swap3A_342 = arith.index_cast %swap3A_341 : i32 to index
        %swap3A_343 = arith.index_cast %add3A_340 : i32 to index
        %swap3A_344 = arith.constant 48 : index
        %swap3A_345 = tpu.vector_load %arg11[%swap3A_342, %swap3A_343, %swap3A_344] {strides = array<i32>} : memref<2x128x64xf32, #tpu.memory_space<vmem>>, vector<1x1x16xf32>,
        %swap3A_346 = vector.shape_cast %swap3A_345 : vector<1x1x16xf32> to vector<16xf32>
        %swap3A_347 = vector.shape_cast %add3A_336 : vector<16xf32> to vector<1x1x16xf32>
        tpu.vector_store %arg11[%swap3A_342, %swap3A_343, %swap3A_344], %swap3A_347 {strides = array<i32>} : memref<2x128x64xf32, #tpu.memory_space<vmem>>, vector<1x1x16xf32>,
        %mul3A_348 = arith.constant 4 : i32
        %mul3A_349 = arith.muli %scan3A_220, %mul3A_348 : i32
        %add3A_350 = arith.constant 1 : i32
        %add3A_351 = arith.addi %mul3A_349, %add3A_350 : i32
        %get3A_352 = arith.constant 0 : i32
        %get3A_353 = arith.index_cast %get3A_352 : i32 to index
        %get3A_354 = arith.index_cast %add3A_351 : i32 to index
        %get3A_355 = arith.constant 0 : index
        %get3A_356 = tpu.vector_load %arg9[%get3A_353, %get3A_354, %get3A_355] {strides = array<i32>} : memref<2x128x64xf32, #tpu.memory_space<vmem>>, vector<1x1x16xf32>,
        %get3A_357 = vector.shape_cast %get3A_356 : vector<1x1x16xf32> to vector<16xf32>
        %mul3A_358 = arith.constant 4 : i32
        %mul3A_359 = arith.muli %scan3A_220, %mul3A_358 : i32
        %add3A_360 = arith.constant 1 : i32
        %add3A_361 = arith.addi %mul3A_359, %add3A_360 : i32
        %get3A_362 = arith.constant 0 : i32
        %get3A_363 = arith.index_cast %get3A_362 : i32 to index
        %get3A_364 = arith.index_cast %add3A_361 : i32 to index
        %get3A_365 = arith.constant 0 : index
        %get3A_366 = tpu.vector_load %arg10[%get3A_363, %get3A_364, %get3A_365] {strides = array<i32>} : memref<2x128x64xf32, #tpu.memory_space<vmem>>, vector<1x1x16xf32>,
        %get3A_367 = vector.shape_cast %get3A_366 : vector<1x1x16xf32> to vector<16xf32>
        %add3A_368 = arith.addf %get3A_357, %get3A_367 : vector<16xf32>
        %mul3A_369 = arith.constant 4 : i32
        %mul3A_370 = arith.muli %scan3A_220, %mul3A_369 : i32
        %add3A_371 = arith.constant 1 : i32
        %add3A_372 = arith.addi %mul3A_370, %add3A_371 : i32
        %swap3A_373 = arith.constant 0 : i32
        %swap3A_374 = arith.index_cast %swap3A_373 : i32 to index
        %swap3A_375 = arith.index_cast %add3A_372 : i32 to index
        %swap3A_376 = arith.constant 0 : index
        %swap3A_377 = tpu.vector_load %arg11[%swap3A_374, %swap3A_375, %swap3A_376] {strides = array<i32>} : memref<2x128x64xf32, #tpu.memory_space<vmem>>, vector<1x1x16xf32>,
        %swap3A_378 = vector.shape_cast %swap3A_377 : vector<1x1x16xf32> to vector<16xf32>
        %swap3A_379 = vector.shape_cast %add3A_368 : vector<16xf32> to vector<1x1x16xf32>
        tpu.vector_store %arg11[%swap3A_374, %swap3A_375, %swap3A_376], %swap3A_379 {strides = array<i32>} : memref<2x128x64xf32, #tpu.memory_space<vmem>>, vector<1x1x16xf32>,
        %mul3A_380 = arith.constant 4 : i32
        %mul3A_381 = arith.muli %scan3A_220, %mul3A_380 : i32
        %add3A_382 = arith.constant 1 : i32
        %add3A_383 = arith.addi %mul3A_381, %add3A_382 : i32
        %get3A_384 = arith.constant 0 : i32
        %get3A_385 = arith.index_cast %get3A_384 : i32 to index
        %get3A_386 = arith.index_cast %add3A_383 : i32 to index
        %get3A_387 = arith.constant 16 : index
        %get3A_388 = tpu.vector_load %arg9[%get3A_385, %get3A_386, %get3A_387] {strides = array<i32>} : memref<2x128x64xf32, #tpu.memory_space<vmem>>, vector<1x1x16xf32>,
        %get3A_389 = vector.shape_cast %get3A_388 : vector<1x1x16xf32> to vector<16xf32>
        %mul3A_390 = arith.constant 4 : i32
        %mul3A_391 = arith.muli %scan3A_220, %mul3A_390 : i32
        %add3A_392 = arith.constant 1 : i32
        %add3A_393 = arith.addi %mul3A_391, %add3A_392 : i32
        %get3A_394 = arith.constant 0 : i32
        %get3A_395 = arith.index_cast %get3A_394 : i32 to index
        %get3A_396 = arith.index_cast %add3A_393 : i32 to index
        %get3A_397 = arith.constant 16 : index
        %get3A_398 = tpu.vector_load %arg10[%get3A_395, %get3A_396, %get3A_397] {strides = array<i32>} : memref<2x128x64xf32, #tpu.memory_space<vmem>>, vector<1x1x16xf32>,
        %get3A_399 = vector.shape_cast %get3A_398 : vector<1x1x16xf32> to vector<16xf32>
        %add3A_400 = arith.addf %get3A_389, %get3A_399 : vector<16xf32>
        %mul3A_401 = arith.constant 4 : i32
        %mul3A_402 = arith.muli %scan3A_220, %mul3A_401 : i32
        %add3A_403 = arith.constant 1 : i32
        %add3A_404 = arith.addi %mul3A_402, %add3A_403 : i32
        %swap3A_405 = arith.constant 0 : i32
        %swap3A_406 = arith.index_cast %swap3A_405 : i32 to index
        %swap3A_407 = arith.index_cast %add3A_404 : i32 to index
        %swap3A_408 = arith.constant 16 : index
        %swap3A_409 = tpu.vector_load %arg11[%swap3A_406, %swap3A_407, %swap3A_408] {strides = array<i32>} : memref<2x128x64xf32, #tpu.memory_space<vmem>>, vector<1x1x16xf32>,
        %swap3A_410 = vector.shape_cast %swap3A_409 : vector<1x1x16xf32> to vector<16xf32>
        %swap3A_411 = vector.shape_cast %add3A_400 : vector<16xf32> to vector<1x1x16xf32>
        tpu.vector_store %arg11[%swap3A_406, %swap3A_407, %swap3A_408], %swap3A_411 {strides = array<i32>} : memref<2x128x64xf32, #tpu.memory_space<vmem>>, vector<1x1x16xf32>,
        %mul3A_412 = arith.constant 4 : i32
        %mul3A_413 = arith.muli %scan3A_220, %mul3A_412 : i32
        %add3A_414 = arith.constant 1 : i32
        %add3A_415 = arith.addi %mul3A_413, %add3A_414 : i32
        %get3A_416 = arith.constant 0 : i32
        %get3A_417 = arith.index_cast %get3A_416 : i32 to index
        %get3A_418 = arith.index_cast %add3A_415 : i32 to index
        %get3A_419 = arith.constant 32 : index
        %get3A_420 = tpu.vector_load %arg9[%get3A_417, %get3A_418, %get3A_419] {strides = array<i32>} : memref<2x128x64xf32, #tpu.memory_space<vmem>>, vector<1x1x16xf32>,
        %get3A_421 = vector.shape_cast %get3A_420 : vector<1x1x16xf32> to vector<16xf32>
        %mul3A_422 = arith.constant 4 : i32
        %mul3A_423 = arith.muli %scan3A_220, %mul3A_422 : i32
        %add3A_424 = arith.constant 1 : i32
        %add3A_425 = arith.addi %mul3A_423, %add3A_424 : i32
        %get3A_426 = arith.constant 0 : i32
        %get3A_427 = arith.index_cast %get3A_426 : i32 to index
        %get3A_428 = arith.index_cast %add3A_425 : i32 to index
        %get3A_429 = arith.constant 32 : index
        %get3A_430 = tpu.vector_load %arg10[%get3A_427, %get3A_428, %get3A_429] {strides = array<i32>} : memref<2x128x64xf32, #tpu.memory_space<vmem>>, vector<1x1x16xf32>,
        %get3A_431 = vector.shape_cast %get3A_430 : vector<1x1x16xf32> to vector<16xf32>
        %add3A_432 = arith.addf %get3A_421, %get3A_431 : vector<16xf32>
        %mul3A_433 = arith.constant 4 : i32
        %mul3A_434 = arith.muli %scan3A_220, %mul3A_433 : i32
        %add3A_435 = arith.constant 1 : i32
        %add3A_436 = arith.addi %mul3A_434, %add3A_435 : i32
        %swap3A_437 = arith.constant 0 : i32
        %swap3A_438 = arith.index_cast %swap3A_437 : i32 to index
        %swap3A_439 = arith.index_cast %add3A_436 : i32 to index
        %swap3A_440 = arith.constant 32 : index
        %swap3A_441 = tpu.vector_load %arg11[%swap3A_438, %swap3A_439, %swap3A_440] {strides = array<i32>} : memref<2x128x64xf32, #tpu.memory_space<vmem>>, vector<1x1x16xf32>,
        %swap3A_442 = vector.shape_cast %swap3A_441 : vector<1x1x16xf32> to vector<16xf32>
        %swap3A_443 = vector.shape_cast %add3A_432 : vector<16xf32> to vector<1x1x16xf32>
        tpu.vector_store %arg11[%swap3A_438, %swap3A_439, %swap3A_440], %swap3A_443 {strides = array<i32>} : memref<2x128x64xf32, #tpu.memory_space<vmem>>, vector<1x1x16xf32>,
        %mul3A_444 = arith.constant 4 : i32
        %mul3A_445 = arith.muli %scan3A_220, %mul3A_444 : i32
        %add3A_446 = arith.constant 1 : i32
        %add3A_447 = arith.addi %mul3A_445, %add3A_446 : i32
        %get3A_448 = arith.constant 0 : i32
        %get3A_449 = arith.index_cast %get3A_448 : i32 to index
        %get3A_450 = arith.index_cast %add3A_447 : i32 to index
        %get3A_451 = arith.constant 48 : index
        %get3A_452 = tpu.vector_load %arg9[%get3A_449, %get3A_450, %get3A_451] {strides = array<i32>} : memref<2x128x64xf32, #tpu.memory_space<vmem>>, vector<1x1x16xf32>,
        %get3A_453 = vector.shape_cast %get3A_452 : vector<1x1x16xf32> to vector<16xf32>
        %mul3A_454 = arith.constant 4 : i32
        %mul3A_455 = arith.muli %scan3A_220, %mul3A_454 : i32
        %add3A_456 = arith.constant 1 : i32
        %add3A_457 = arith.addi %mul3A_455, %add3A_456 : i32
        %get3A_458 = arith.constant 0 : i32
        %get3A_459 = arith.index_cast %get3A_458 : i32 to index
        %get3A_460 = arith.index_cast %add3A_457 : i32 to index
        %get3A_461 = arith.constant 48 : index
        %get3A_462 = tpu.vector_load %arg10[%get3A_459, %get3A_460, %get3A_461] {strides = array<i32>} : memref<2x128x64xf32, #tpu.memory_space<vmem>>, vector<1x1x16xf32>,
        %get3A_463 = vector.shape_cast %get3A_462 : vector<1x1x16xf32> to vector<16xf32>
        %add3A_464 = arith.addf %get3A_453, %get3A_463 : vector<16xf32>
        %mul3A_465 = arith.constant 4 : i32
        %mul3A_466 = arith.muli %scan3A_220, %mul3A_465 : i32
        %add3A_467 = arith.constant 1 : i32
        %add3A_468 = arith.addi %mul3A_466, %add3A_467 : i32
        %swap3A_469 = arith.constant 0 : i32
        %swap3A_470 = arith.index_cast %swap3A_469 : i32 to index
        %swap3A_471 = arith.index_cast %add3A_468 : i32 to index
        %swap3A_472 = arith.constant 48 : index
        %swap3A_473 = tpu.vector_load %arg11[%swap3A_470, %swap3A_471, %swap3A_472] {strides = array<i32>} : memref<2x128x64xf32, #tpu.memory_space<vmem>>, vector<1x1x16xf32>,
        %swap3A_474 = vector.shape_cast %swap3A_473 : vector<1x1x16xf32> to vector<16xf32>
        %swap3A_475 = vector.shape_cast %add3A_464 : vector<16xf32> to vector<1x1x16xf32>
        tpu.vector_store %arg11[%swap3A_470, %swap3A_471, %swap3A_472], %swap3A_475 {strides = array<i32>} : memref<2x128x64xf32, #tpu.memory_space<vmem>>, vector<1x1x16xf32>,
        %mul3A_476 = arith.constant 4 : i32
        %mul3A_477 = arith.muli %scan3A_220, %mul3A_476 : i32
        %add3A_478 = arith.constant 2 : i32
        %add3A_479 = arith.addi %mul3A_477, %add3A_478 : i32
        %get3A_480 = arith.constant 0 : i32
        %get3A_481 = arith.index_cast %get3A_480 : i32 to index
        %get3A_482 = arith.index_cast %add3A_479 : i32 to index
        %get3A_483 = arith.constant 0 : index
        %get3A_484 = tpu.vector_load %arg9[%get3A_481, %get3A_482, %get3A_483] {strides = array<i32>} : memref<2x128x64xf32, #tpu.memory_space<vmem>>, vector<1x1x16xf32>,
        %get3A_485 = vector.shape_cast %get3A_484 : vector<1x1x16xf32> to vector<16xf32>
        %mul3A_486 = arith.constant 4 : i32
        %mul3A_487 = arith.muli %scan3A_220, %mul3A_486 : i32
        %add3A_488 = arith.constant 2 : i32
        %add3A_489 = arith.addi %mul3A_487, %add3A_488 : i32
        %get3A_490 = arith.constant 0 : i32
        %get3A_491 = arith.index_cast %get3A_490 : i32 to index
        %get3A_492 = arith.index_cast %add3A_489 : i32 to index
        %get3A_493 = arith.constant 0 : index
        %get3A_494 = tpu.vector_load %arg10[%get3A_491, %get3A_492, %get3A_493] {strides = array<i32>} : memref<2x128x64xf32, #tpu.memory_space<vmem>>, vector<1x1x16xf32>,
        %get3A_495 = vector.shape_cast %get3A_494 : vector<1x1x16xf32> to vector<16xf32>
        %add3A_496 = arith.addf %get3A_485, %get3A_495 : vector<16xf32>
        %mul3A_497 = arith.constant 4 : i32
        %mul3A_498 = arith.muli %scan3A_220, %mul3A_497 : i32
        %add3A_499 = arith.constant 2 : i32
        %add3A_500 = arith.addi %mul3A_498, %add3A_499 : i32
        %swap3A_501 = arith.constant 0 : i32
        %swap3A_502 = arith.index_cast %swap3A_501 : i32 to index
        %swap3A_503 = arith.index_cast %add3A_500 : i32 to index
        %swap3A_504 = arith.constant 0 : index
        %swap3A_505 = tpu.vector_load %arg11[%swap3A_502, %swap3A_503, %swap3A_504] {strides = array<i32>} : memref<2x128x64xf32, #tpu.memory_space<vmem>>, vector<1x1x16xf32>,
        %swap3A_506 = vector.shape_cast %swap3A_505 : vector<1x1x16xf32> to vector<16xf32>
        %swap3A_507 = vector.shape_cast %add3A_496 : vector<16xf32> to vector<1x1x16xf32>
        tpu.vector_store %arg11[%swap3A_502, %swap3A_503, %swap3A_504], %swap3A_507 {strides = array<i32>} : memref<2x128x64xf32, #tpu.memory_space<vmem>>, vector<1x1x16xf32>,
        %mul3A_508 = arith.constant 4 : i32
        %mul3A_509 = arith.muli %scan3A_220, %mul3A_508 : i32
        %add3A_510 = arith.constant 2 : i32
        %add3A_511 = arith.addi %mul3A_509, %add3A_510 : i32
        %get3A_512 = arith.constant 0 : i32
        %get3A_513 = arith.index_cast %get3A_512 : i32 to index
        %get3A_514 = arith.index_cast %add3A_511 : i32 to index
        %get3A_515 = arith.constant 16 : index
        %get3A_516 = tpu.vector_load %arg9[%get3A_513, %get3A_514, %get3A_515] {strides = array<i32>} : memref<2x128x64xf32, #tpu.memory_space<vmem>>, vector<1x1x16xf32>,
        %get3A_517 = vector.shape_cast %get3A_516 : vector<1x1x16xf32> to vector<16xf32>
        %mul3A_518 = arith.constant 4 : i32
        %mul3A_519 = arith.muli %scan3A_220, %mul3A_518 : i32
        %add3A_520 = arith.constant 2 : i32
        %add3A_521 = arith.addi %mul3A_519, %add3A_520 : i32
        %get3A_522 = arith.constant 0 : i32
        %get3A_523 = arith.index_cast %get3A_522 : i32 to index
        %get3A_524 = arith.index_cast %add3A_521 : i32 to index
        %get3A_525 = arith.constant 16 : index
        %get3A_526 = tpu.vector_load %arg10[%get3A_523, %get3A_524, %get3A_525] {strides = array<i32>} : memref<2x128x64xf32, #tpu.memory_space<vmem>>, vector<1x1x16xf32>,
        %get3A_527 = vector.shape_cast %get3A_526 : vector<1x1x16xf32> to vector<16xf32>
        %add3A_528 = arith.addf %get3A_517, %get3A_527 : vector<16xf32>
        %mul3A_529 = arith.constant 4 : i32
        %mul3A_530 = arith.muli %scan3A_220, %mul3A_529 : i32
        %add3A_531 = arith.constant 2 : i32
        %add3A_532 = arith.addi %mul3A_530, %add3A_531 : i32
        %swap3A_533 = arith.constant 0 : i32
        %swap3A_534 = arith.index_cast %swap3A_533 : i32 to index
        %swap3A_535 = arith.index_cast %add3A_532 : i32 to index
        %swap3A_536 = arith.constant 16 : index
        %swap3A_537 = tpu.vector_load %arg11[%swap3A_534, %swap3A_535, %swap3A_536] {strides = array<i32>} : memref<2x128x64xf32, #tpu.memory_space<vmem>>, vector<1x1x16xf32>,
        %swap3A_538 = vector.shape_cast %swap3A_537 : vector<1x1x16xf32> to vector<16xf32>
        %swap3A_539 = vector.shape_cast %add3A_528 : vector<16xf32> to vector<1x1x16xf32>
        tpu.vector_store %arg11[%swap3A_534, %swap3A_535, %swap3A_536], %swap3A_539 {strides = array<i32>} : memref<2x128x64xf32, #tpu.memory_space<vmem>>, vector<1x1x16xf32>,
        %mul3A_540 = arith.constant 4 : i32
        %mul3A_541 = arith.muli %scan3A_220, %mul3A_540 : i32
        %add3A_542 = arith.constant 2 : i32
        %add3A_543 = arith.addi %mul3A_541, %add3A_542 : i32
        %get3A_544 = arith.constant 0 : i32
        %get3A_545 = arith.index_cast %get3A_544 : i32 to index
        %get3A_546 = arith.index_cast %add3A_543 : i32 to index
        %get3A_547 = arith.constant 32 : index
        %get3A_548 = tpu.vector_load %arg9[%get3A_545, %get3A_546, %get3A_547] {strides = array<i32>} : memref<2x128x64xf32, #tpu.memory_space<vmem>>, vector<1x1x16xf32>,
        %get3A_549 = vector.shape_cast %get3A_548 : vector<1x1x16xf32> to vector<16xf32>
        %mul3A_550 = arith.constant 4 : i32
        %mul3A_551 = arith.muli %scan3A_220, %mul3A_550 : i32
        %add3A_552 = arith.constant 2 : i32
        %add3A_553 = arith.addi %mul3A_551, %add3A_552 : i32
        %get3A_554 = arith.constant 0 : i32
        %get3A_555 = arith.index_cast %get3A_554 : i32 to index
        %get3A_556 = arith.index_cast %add3A_553 : i32 to index
        %get3A_557 = arith.constant 32 : index
        %get3A_558 = tpu.vector_load %arg10[%get3A_555, %get3A_556, %get3A_557] {strides = array<i32>} : memref<2x128x64xf32, #tpu.memory_space<vmem>>, vector<1x1x16xf32>,
        %get3A_559 = vector.shape_cast %get3A_558 : vector<1x1x16xf32> to vector<16xf32>
        %add3A_560 = arith.addf %get3A_549, %get3A_559 : vector<16xf32>
        %mul3A_561 = arith.constant 4 : i32
        %mul3A_562 = arith.muli %scan3A_220, %mul3A_561 : i32
        %add3A_563 = arith.constant 2 : i32
        %add3A_564 = arith.addi %mul3A_562, %add3A_563 : i32
        %swap3A_565 = arith.constant 0 : i32
        %swap3A_566 = arith.index_cast %swap3A_565 : i32 to index
        %swap3A_567 = arith.index_cast %add3A_564 : i32 to index
        %swap3A_568 = arith.constant 32 : index
        %swap3A_569 = tpu.vector_load %arg11[%swap3A_566, %swap3A_567, %swap3A_568] {strides = array<i32>} : memref<2x128x64xf32, #tpu.memory_space<vmem>>, vector<1x1x16xf32>,
        %swap3A_570 = vector.shape_cast %swap3A_569 : vector<1x1x16xf32> to vector<16xf32>
        %swap3A_571 = vector.shape_cast %add3A_560 : vector<16xf32> to vector<1x1x16xf32>
        tpu.vector_store %arg11[%swap3A_566, %swap3A_567, %swap3A_568], %swap3A_571 {strides = array<i32>} : memref<2x128x64xf32, #tpu.memory_space<vmem>>, vector<1x1x16xf32>,
        %mul3A_572 = arith.constant 4 : i32
        %mul3A_573 = arith.muli %scan3A_220, %mul3A_572 : i32
        %add3A_574 = arith.constant 2 : i32
        %add3A_575 = arith.addi %mul3A_573, %add3A_574 : i32
        %get3A_576 = arith.constant 0 : i32
        %get3A_577 = arith.index_cast %get3A_576 : i32 to index
        %get3A_578 = arith.index_cast %add3A_575 : i32 to index
        %get3A_579 = arith.constant 48 : index
        %get3A_580 = tpu.vector_load %arg9[%get3A_577, %get3A_578, %get3A_579] {strides = array<i32>} : memref<2x128x64xf32, #tpu.memory_space<vmem>>, vector<1x1x16xf32>,
        %get3A_581 = vector.shape_cast %get3A_580 : vector<1x1x16xf32> to vector<16xf32>
        %mul3A_582 = arith.constant 4 : i32
        %mul3A_583 = arith.muli %scan3A_220, %mul3A_582 : i32
        %add3A_584 = arith.constant 2 : i32
        %add3A_585 = arith.addi %mul3A_583, %add3A_584 : i32
        %get3A_586 = arith.constant 0 : i32
        %get3A_587 = arith.index_cast %get3A_586 : i32 to index
        %get3A_588 = arith.index_cast %add3A_585 : i32 to index
        %get3A_589 = arith.constant 48 : index
        %get3A_590 = tpu.vector_load %arg10[%get3A_587, %get3A_588, %get3A_589] {strides = array<i32>} : memref<2x128x64xf32, #tpu.memory_space<vmem>>, vector<1x1x16xf32>,
        %get3A_591 = vector.shape_cast %get3A_590 : vector<1x1x16xf32> to vector<16xf32>
        %add3A_592 = arith.addf %get3A_581, %get3A_591 : vector<16xf32>
        %mul3A_593 = arith.constant 4 : i32
        %mul3A_594 = arith.muli %scan3A_220, %mul3A_593 : i32
        %add3A_595 = arith.constant 2 : i32
        %add3A_596 = arith.addi %mul3A_594, %add3A_595 : i32
        %swap3A_597 = arith.constant 0 : i32
        %swap3A_598 = arith.index_cast %swap3A_597 : i32 to index
        %swap3A_599 = arith.index_cast %add3A_596 : i32 to index
        %swap3A_600 = arith.constant 48 : index
        %swap3A_601 = tpu.vector_load %arg11[%swap3A_598, %swap3A_599, %swap3A_600] {strides = array<i32>} : memref<2x128x64xf32, #tpu.memory_space<vmem>>, vector<1x1x16xf32>,
        %swap3A_602 = vector.shape_cast %swap3A_601 : vector<1x1x16xf32> to vector<16xf32>
        %swap3A_603 = vector.shape_cast %add3A_592 : vector<16xf32> to vector<1x1x16xf32>
        tpu.vector_store %arg11[%swap3A_598, %swap3A_599, %swap3A_600], %swap3A_603 {strides = array<i32>} : memref<2x128x64xf32, #tpu.memory_space<vmem>>, vector<1x1x16xf32>,
        %mul3A_604 = arith.constant 4 : i32
        %mul3A_605 = arith.muli %scan3A_220, %mul3A_604 : i32
        %add3A_606 = arith.constant 3 : i32
        %add3A_607 = arith.addi %mul3A_605, %add3A_606 : i32
        %get3A_608 = arith.constant 0 : i32
        %get3A_609 = arith.index_cast %get3A_608 : i32 to index
        %get3A_610 = arith.index_cast %add3A_607 : i32 to index
        %get3A_611 = arith.constant 0 : index
        %get3A_612 = tpu.vector_load %arg9[%get3A_609, %get3A_610, %get3A_611] {strides = array<i32>} : memref<2x128x64xf32, #tpu.memory_space<vmem>>, vector<1x1x16xf32>,
        %get3A_613 = vector.shape_cast %get3A_612 : vector<1x1x16xf32> to vector<16xf32>
        %mul3A_614 = arith.constant 4 : i32
        %mul3A_615 = arith.muli %scan3A_220, %mul3A_614 : i32
        %add3A_616 = arith.constant 3 : i32
        %add3A_617 = arith.addi %mul3A_615, %add3A_616 : i32
        %get3A_618 = arith.constant 0 : i32
        %get3A_619 = arith.index_cast %get3A_618 : i32 to index
        %get3A_620 = arith.index_cast %add3A_617 : i32 to index
        %get3A_621 = arith.constant 0 : index
        %get3A_622 = tpu.vector_load %arg10[%get3A_619, %get3A_620, %get3A_621] {strides = array<i32>} : memref<2x128x64xf32, #tpu.memory_space<vmem>>, vector<1x1x16xf32>,
        %get3A_623 = vector.shape_cast %get3A_622 : vector<1x1x16xf32> to vector<16xf32>
        %add3A_624 = arith.addf %get3A_613, %get3A_623 : vector<16xf32>
        %mul3A_625 = arith.constant 4 : i32
        %mul3A_626 = arith.muli %scan3A_220, %mul3A_625 : i32
        %add3A_627 = arith.constant 3 : i32
        %add3A_628 = arith.addi %mul3A_626, %add3A_627 : i32
        %swap3A_629 = arith.constant 0 : i32
        %swap3A_630 = arith.index_cast %swap3A_629 : i32 to index
        %swap3A_631 = arith.index_cast %add3A_628 : i32 to index
        %swap3A_632 = arith.constant 0 : index
        %swap3A_633 = tpu.vector_load %arg11[%swap3A_630, %swap3A_631, %swap3A_632] {strides = array<i32>} : memref<2x128x64xf32, #tpu.memory_space<vmem>>, vector<1x1x16xf32>,
        %swap3A_634 = vector.shape_cast %swap3A_633 : vector<1x1x16xf32> to vector<16xf32>
        %swap3A_635 = vector.shape_cast %add3A_624 : vector<16xf32> to vector<1x1x16xf32>
        tpu.vector_store %arg11[%swap3A_630, %swap3A_631, %swap3A_632], %swap3A_635 {strides = array<i32>} : memref<2x128x64xf32, #tpu.memory_space<vmem>>, vector<1x1x16xf32>,
        %mul3A_636 = arith.constant 4 : i32
        %mul3A_637 = arith.muli %scan3A_220, %mul3A_636 : i32
        %add3A_638 = arith.constant 3 : i32
        %add3A_639 = arith.addi %mul3A_637, %add3A_638 : i32
        %get3A_640 = arith.constant 0 : i32
        %get3A_641 = arith.index_cast %get3A_640 : i32 to index
        %get3A_642 = arith.index_cast %add3A_639 : i32 to index
        %get3A_643 = arith.constant 16 : index
        %get3A_644 = tpu.vector_load %arg9[%get3A_641, %get3A_642, %get3A_643] {strides = array<i32>} : memref<2x128x64xf32, #tpu.memory_space<vmem>>, vector<1x1x16xf32>,
        %get3A_645 = vector.shape_cast %get3A_644 : vector<1x1x16xf32> to vector<16xf32>
        %mul3A_646 = arith.constant 4 : i32
        %mul3A_647 = arith.muli %scan3A_220, %mul3A_646 : i32
        %add3A_648 = arith.constant 3 : i32
        %add3A_649 = arith.addi %mul3A_647, %add3A_648 : i32
        %get3A_650 = arith.constant 0 : i32
        %get3A_651 = arith.index_cast %get3A_650 : i32 to index
        %get3A_652 = arith.index_cast %add3A_649 : i32 to index
        %get3A_653 = arith.constant 16 : index
        %get3A_654 = tpu.vector_load %arg10[%get3A_651, %get3A_652, %get3A_653] {strides = array<i32>} : memref<2x128x64xf32, #tpu.memory_space<vmem>>, vector<1x1x16xf32>,
        %get3A_655 = vector.shape_cast %get3A_654 : vector<1x1x16xf32> to vector<16xf32>
        %add3A_656 = arith.addf %get3A_645, %get3A_655 : vector<16xf32>
        %mul3A_657 = arith.constant 4 : i32
        %mul3A_658 = arith.muli %scan3A_220, %mul3A_657 : i32
        %add3A_659 = arith.constant 3 : i32
        %add3A_660 = arith.addi %mul3A_658, %add3A_659 : i32
        %swap3A_661 = arith.constant 0 : i32
        %swap3A_662 = arith.index_cast %swap3A_661 : i32 to index
        %swap3A_663 = arith.index_cast %add3A_660 : i32 to index
        %swap3A_664 = arith.constant 16 : index
        %swap3A_665 = tpu.vector_load %arg11[%swap3A_662, %swap3A_663, %swap3A_664] {strides = array<i32>} : memref<2x128x64xf32, #tpu.memory_space<vmem>>, vector<1x1x16xf32>,
        %swap3A_666 = vector.shape_cast %swap3A_665 : vector<1x1x16xf32> to vector<16xf32>
        %swap3A_667 = vector.shape_cast %add3A_656 : vector<16xf32> to vector<1x1x16xf32>
        tpu.vector_store %arg11[%swap3A_662, %swap3A_663, %swap3A_664], %swap3A_667 {strides = array<i32>} : memref<2x128x64xf32, #tpu.memory_space<vmem>>, vector<1x1x16xf32>,
        %mul3A_668 = arith.constant 4 : i32
        %mul3A_669 = arith.muli %scan3A_220, %mul3A_668 : i32
        %add3A_670 = arith.constant 3 : i32
        %add3A_671 = arith.addi %mul3A_669, %add3A_670 : i32
        %get3A_672 = arith.constant 0 : i32
        %get3A_673 = arith.index_cast %get3A_672 : i32 to index
        %get3A_674 = arith.index_cast %add3A_671 : i32 to index
        %get3A_675 = arith.constant 32 : index
        %get3A_676 = tpu.vector_load %arg9[%get3A_673, %get3A_674, %get3A_675] {strides = array<i32>} : memref<2x128x64xf32, #tpu.memory_space<vmem>>, vector<1x1x16xf32>,
        %get3A_677 = vector.shape_cast %get3A_676 : vector<1x1x16xf32> to vector<16xf32>
        %mul3A_678 = arith.constant 4 : i32
        %mul3A_679 = arith.muli %scan3A_220, %mul3A_678 : i32
        %add3A_680 = arith.constant 3 : i32
        %add3A_681 = arith.addi %mul3A_679, %add3A_680 : i32
        %get3A_682 = arith.constant 0 : i32
        %get3A_683 = arith.index_cast %get3A_682 : i32 to index
        %get3A_684 = arith.index_cast %add3A_681 : i32 to index
        %get3A_685 = arith.constant 32 : index
        %get3A_686 = tpu.vector_load %arg10[%get3A_683, %get3A_684, %get3A_685] {strides = array<i32>} : memref<2x128x64xf32, #tpu.memory_space<vmem>>, vector<1x1x16xf32>,
        %get3A_687 = vector.shape_cast %get3A_686 : vector<1x1x16xf32> to vector<16xf32>
        %add3A_688 = arith.addf %get3A_677, %get3A_687 : vector<16xf32>
        %mul3A_689 = arith.constant 4 : i32
        %mul3A_690 = arith.muli %scan3A_220, %mul3A_689 : i32
        %add3A_691 = arith.constant 3 : i32
        %add3A_692 = arith.addi %mul3A_690, %add3A_691 : i32
        %swap3A_693 = arith.constant 0 : i32
        %swap3A_694 = arith.index_cast %swap3A_693 : i32 to index
        %swap3A_695 = arith.index_cast %add3A_692 : i32 to index
        %swap3A_696 = arith.constant 32 : index
        %swap3A_697 = tpu.vector_load %arg11[%swap3A_694, %swap3A_695, %swap3A_696] {strides = array<i32>} : memref<2x128x64xf32, #tpu.memory_space<vmem>>, vector<1x1x16xf32>,
        %swap3A_698 = vector.shape_cast %swap3A_697 : vector<1x1x16xf32> to vector<16xf32>
        %swap3A_699 = vector.shape_cast %add3A_688 : vector<16xf32> to vector<1x1x16xf32>
        tpu.vector_store %arg11[%swap3A_694, %swap3A_695, %swap3A_696], %swap3A_699 {strides = array<i32>} : memref<2x128x64xf32, #tpu.memory_space<vmem>>, vector<1x1x16xf32>,
        %mul3A_700 = arith.constant 4 : i32
        %mul3A_701 = arith.muli %scan3A_220, %mul3A_700 : i32
        %add3A_702 = arith.constant 3 : i32
        %add3A_703 = arith.addi %mul3A_701, %add3A_702 : i32
        %get3A_704 = arith.constant 0 : i32
        %get3A_705 = arith.index_cast %get3A_704 : i32 to index
        %get3A_706 = arith.index_cast %add3A_703 : i32 to index
        %get3A_707 = arith.constant 48 : index
        %get3A_708 = tpu.vector_load %arg9[%get3A_705, %get3A_706, %get3A_707] {strides = array<i32>} : memref<2x128x64xf32, #tpu.memory_space<vmem>>, vector<1x1x16xf32>,
        %get3A_709 = vector.shape_cast %get3A_708 : vector<1x1x16xf32> to vector<16xf32>
        %mul3A_710 = arith.constant 4 : i32
        %mul3A_711 = arith.muli %scan3A_220, %mul3A_710 : i32
        %add3A_712 = arith.constant 3 : i32
        %add3A_713 = arith.addi %mul3A_711, %add3A_712 : i32
        %get3A_714 = arith.constant 0 : i32
        %get3A_715 = arith.index_cast %get3A_714 : i32 to index
        %get3A_716 = arith.index_cast %add3A_713 : i32 to index
        %get3A_717 = arith.constant 48 : index
        %get3A_718 = tpu.vector_load %arg10[%get3A_715, %get3A_716, %get3A_717] {strides = array<i32>} : memref<2x128x64xf32, #tpu.memory_space<vmem>>, vector<1x1x16xf32>,
        %get3A_719 = vector.shape_cast %get3A_718 : vector<1x1x16xf32> to vector<16xf32>
        %add3A_720 = arith.addf %get3A_709, %get3A_719 : vector<16xf32>
        %mul3A_721 = arith.constant 4 : i32
        %mul3A_722 = arith.muli %scan3A_220, %mul3A_721 : i32
        %add3A_723 = arith.constant 3 : i32
        %add3A_724 = arith.addi %mul3A_722, %add3A_723 : i32
        %swap3A_725 = arith.constant 0 : i32
        %swap3A_726 = arith.index_cast %swap3A_725 : i32 to index
        %swap3A_727 = arith.index_cast %add3A_724 : i32 to index
        %swap3A_728 = arith.constant 48 : index
        %swap3A_729 = tpu.vector_load %arg11[%swap3A_726, %swap3A_727, %swap3A_728] {strides = array<i32>} : memref<2x128x64xf32, #tpu.memory_space<vmem>>, vector<1x1x16xf32>,
        %swap3A_730 = vector.shape_cast %swap3A_729 : vector<1x1x16xf32> to vector<16xf32>
        %swap3A_731 = vector.shape_cast %add3A_720 : vector<16xf32> to vector<1x1x16xf32>
        tpu.vector_store %arg11[%swap3A_726, %swap3A_727, %swap3A_728], %swap3A_731 {strides = array<i32>} : memref<2x128x64xf32, #tpu.memory_space<vmem>>, vector<1x1x16xf32>,
        %scan3A_732 = arith.constant 0 : i32
        scf.yield %scan3A_732 : i32
      }
      %scan3A_142 = arith.constant 32 : i32
      %dma_start3A_143 = arith.constant 0 : i32
      %dma_start3A_144 = arith.constant 0 : i32
      %dma_start3A_145 = arith.constant 0 : i32
      %dma_start3A_146 = tpu.memref_slice %arg11[%dma_start3A_143, %dma_start3A_144, %dma_start3A_145] : memref<2x128x64xf32, #tpu.memory_space<vmem>> -> memref<1x128x64xf32, #tpu.memory_space<vmem>>
      %dma_start3A_147 = tpu.memref_squeeze %dma_start3A_146 : memref<1x128x64xf32, #tpu.memory_space<vmem>> -> memref<128x64xf32, #tpu.memory_space<vmem>>
      %dma_start3A_148 = arith.constant 0 : i32
      %dma_start3A_149 = tpu.memref_slice %arg6[%mul3A_133, %dma_start3A_148] : memref<819200x64xf32, #tpu.memory_space<hbm>> -> memref<128x64xf32, #tpu.memory_space<hbm>>
      %dma_start3A_150 = arith.constant 0 : i32
      %dma_start3A_151 = tpu.memref_slice %arg6[%mul3A_133, %dma_start3A_150] : memref<819200x64xf32, #tpu.memory_space<hbm>> -> memref<128x64xf32, #tpu.memory_space<hbm>>
      %dma_start3A_152 = arith.constant 0 : i32
      %dma_start3A_153 = arith.constant 0 : i32
      %dma_start3A_154 = tpu.memref_slice %arg11[%dma_start3A_143, %dma_start3A_152, %dma_start3A_153] : memref<2x128x64xf32, #tpu.memory_space<vmem>> -> memref<1x128x64xf32, #tpu.memory_space<vmem>>
      %dma_start3A_155 = tpu.memref_squeeze %dma_start3A_154 : memref<1x128x64xf32, #tpu.memory_space<vmem>> -> memref<128x64xf32, #tpu.memory_space<vmem>>
      tpu.enqueue_dma source(%dma_start3A_155 : memref<128x64xf32, #tpu.memory_space<vmem>>) target(%dma_start3A_151 : memref<128x64xf32, #tpu.memory_space<hbm>>) target_semaphore(%arg16 : memref<!tpu.dma_semaphore, #tpu.memory_space<semaphore_mem>>)
      %lt3A = arith.constant 99 : i32
      %lt3A_156 = arith.cmpi slt, %scan3A_103, %lt3A : i32
      %convert_element_type3A_157 = arith.extui %lt3A_156 : i1 to i32
      %cond3A_158 = arith.constant 0 : i32
      %cond3A_159 = arith.cmpi ne, %convert_element_type3A_157, %cond3A_158 : i32
      scf.if %cond3A_159 {
        %add3A_220 = arith.constant 2 : i32
        %add3A_221 = arith.addi %add3A_108, %add3A_220 : i32
        %dma_start3A_222 = arith.constant 0 : i32
        %dma_start3A_223 = arith.constant 0 : i32
        %dma_start3A_224 = arith.constant 0 : i32
        %dma_start3A_225 = tpu.memref_slice %arg9[%dma_start3A_222, %dma_start3A_223, %dma_start3A_224] : memref<2x128x64xf32, #tpu.memory_space<vmem>> -> memref<1x128x64xf32, #tpu.memory_space<vmem>>
        %dma_start3A_226 = tpu.memref_squeeze %dma_start3A_225 : memref<1x128x64xf32, #tpu.memory_space<vmem>> -> memref<128x64xf32, #tpu.memory_space<vmem>>
        %dma_start3A_227 = arith.constant 0 : i32
        %dma_start3A_228 = tpu.memref_slice %arg7[%add3A_221, %dma_start3A_227] : memref<200x128xi32, #tpu.memory_space<vmem>> -> memref<1x128xi32, #tpu.memory_space<vmem>>
        %dma_start3A_229 = tpu.memref_squeeze %dma_start3A_228 : memref<1x128xi32, #tpu.memory_space<vmem>> -> memref<128xi32, #tpu.memory_space<vmem>>
        %dma_start3A_230 = arith.constant 0 : i32
        %dma_start3A_231 = arith.constant 0 : i32
        %dma_start3A_232 = tpu.memref_slice %arg4[%dma_start3A_230, %dma_start3A_231] : memref<1000000x64xf32, #tpu.memory_space<hbm>> -> memref<1000000x64xf32, #tpu.memory_space<hbm>>
        tpu.enqueue_indirect_dma source(%dma_start3A_232 : memref<1000000x64xf32, #tpu.memory_space<hbm>>) target(%dma_start3A_226 : memref<128x64xf32, #tpu.memory_space<vmem>>) offsets(%dma_start3A_229 : memref<128xi32, #tpu.memory_space<vmem>>) semaphore(%arg12 : memref<!tpu.dma_semaphore, #tpu.memory_space<semaphore_mem>>)
        %dma_start3A_233 = arith.constant 0 : i32
        %dma_start3A_234 = arith.constant 0 : i32
        %dma_start3A_235 = arith.constant 0 : i32
        %dma_start3A_236 = tpu.memref_slice %arg10[%dma_start3A_233, %dma_start3A_234, %dma_start3A_235] : memref<2x128x64xf32, #tpu.memory_space<vmem>> -> memref<1x128x64xf32, #tpu.memory_space<vmem>>
        %dma_start3A_237 = tpu.memref_squeeze %dma_start3A_236 : memref<1x128x64xf32, #tpu.memory_space<vmem>> -> memref<128x64xf32, #tpu.memory_space<vmem>>
        %dma_start3A_238 = arith.constant 0 : i32
        %dma_start3A_239 = tpu.memref_slice %arg8[%add3A_221, %dma_start3A_238] : memref<200x128xi32, #tpu.memory_space<vmem>> -> memref<1x128xi32, #tpu.memory_space<vmem>>
        %dma_start3A_240 = tpu.memref_squeeze %dma_start3A_239 : memref<1x128xi32, #tpu.memory_space<vmem>> -> memref<128xi32, #tpu.memory_space<vmem>>
        %dma_start3A_241 = arith.constant 0 : i32
        %dma_start3A_242 = arith.constant 0 : i32
        %dma_start3A_243 = tpu.memref_slice %arg5[%dma_start3A_241, %dma_start3A_242] : memref<600x64xf32, #tpu.memory_space<hbm>> -> memref<600x64xf32, #tpu.memory_space<hbm>>
        tpu.enqueue_indirect_dma source(%dma_start3A_243 : memref<600x64xf32, #tpu.memory_space<hbm>>) target(%dma_start3A_237 : memref<128x64xf32, #tpu.memory_space<vmem>>) offsets(%dma_start3A_240 : memref<128xi32, #tpu.memory_space<vmem>>) semaphore(%arg14 : memref<!tpu.dma_semaphore, #tpu.memory_space<semaphore_mem>>)
      } else {
      }
      %mul3A_160 = arith.constant 2 : i32
      %mul3A_161 = arith.muli %scan3A_103, %mul3A_160 : i32
      %add3A_162 = arith.constant 1 : i32
      %add3A_163 = arith.addi %mul3A_161, %add3A_162 : i32
      %dma_wait3A_164 = arith.constant 1 : i32
      %dma_wait3A_165 = arith.constant 0 : i32
      %dma_wait3A_166 = arith.constant 0 : i32
      %dma_wait3A_167 = tpu.memref_slice %arg9[%dma_wait3A_164, %dma_wait3A_165, %dma_wait3A_166] : memref<2x128x64xf32, #tpu.memory_space<vmem>> -> memref<1x128x64xf32, #tpu.memory_space<vmem>>
      %dma_wait3A_168 = tpu.memref_squeeze %dma_wait3A_167 : memref<1x128x64xf32, #tpu.memory_space<vmem>> -> memref<128x64xf32, #tpu.memory_space<vmem>>
      %dma_wait3A_169 = arith.constant 0 : i32
      %dma_wait3A_170 = tpu.memref_slice %arg7[%add3A_163, %dma_wait3A_169] : memref<200x128xi32, #tpu.memory_space<vmem>> -> memref<1x128xi32, #tpu.memory_space<vmem>>
      %dma_wait3A_171 = tpu.memref_squeeze %dma_wait3A_170 : memref<1x128xi32, #tpu.memory_space<vmem>> -> memref<128xi32, #tpu.memory_space<vmem>>
      %dma_wait3A_172 = arith.constant 0 : i32
      %dma_wait3A_173 = arith.constant 0 : i32
      %dma_wait3A_174 = tpu.memref_slice %arg4[%dma_wait3A_172, %dma_wait3A_173] : memref<1000000x64xf32, #tpu.memory_space<hbm>> -> memref<1000000x64xf32, #tpu.memory_space<hbm>>
      tpu.wait_indirect_dma semaphore(%arg13 : memref<!tpu.dma_semaphore, #tpu.memory_space<semaphore_mem>>) src(%dma_wait3A_174 : memref<1000000x64xf32, #tpu.memory_space<hbm>>) dst(%dma_wait3A_168 : memref<128x64xf32, #tpu.memory_space<vmem>>)
      %dma_wait3A_175 = arith.constant 1 : i32
      %dma_wait3A_176 = arith.constant 0 : i32
      %dma_wait3A_177 = arith.constant 0 : i32
      %dma_wait3A_178 = tpu.memref_slice %arg10[%dma_wait3A_175, %dma_wait3A_176, %dma_wait3A_177] : memref<2x128x64xf32, #tpu.memory_space<vmem>> -> memref<1x128x64xf32, #tpu.memory_space<vmem>>
      %dma_wait3A_179 = tpu.memref_squeeze %dma_wait3A_178 : memref<1x128x64xf32, #tpu.memory_space<vmem>> -> memref<128x64xf32, #tpu.memory_space<vmem>>
      %dma_wait3A_180 = arith.constant 0 : i32
      %dma_wait3A_181 = tpu.memref_slice %arg8[%add3A_163, %dma_wait3A_180] : memref<200x128xi32, #tpu.memory_space<vmem>> -> memref<1x128xi32, #tpu.memory_space<vmem>>
      %dma_wait3A_182 = tpu.memref_squeeze %dma_wait3A_181 : memref<1x128xi32, #tpu.memory_space<vmem>> -> memref<128xi32, #tpu.memory_space<vmem>>
      %dma_wait3A_183 = arith.constant 0 : i32
      %dma_wait3A_184 = arith.constant 0 : i32
      %dma_wait3A_185 = tpu.memref_slice %arg5[%dma_wait3A_183, %dma_wait3A_184] : memref<600x64xf32, #tpu.memory_space<hbm>> -> memref<600x64xf32, #tpu.memory_space<hbm>>
      tpu.wait_indirect_dma semaphore(%arg15 : memref<!tpu.dma_semaphore, #tpu.memory_space<semaphore_mem>>) src(%dma_wait3A_185 : memref<600x64xf32, #tpu.memory_space<hbm>>) dst(%dma_wait3A_179 : memref<128x64xf32, #tpu.memory_space<vmem>>)
      %add3A_186 = arith.addi %mul3A_2, %add3A_163 : i32
      %mul3A_187 = arith.constant 128 : i32
      %mul3A_188 = arith.muli %add3A_186, %mul3A_187 : i32
      %ge3A_189 = arith.constant 1 : i32
      %ge3A_190 = arith.cmpi sge, %scan3A_103, %ge3A_189 : i32
      %convert_element_type3A_191 = arith.extui %ge3A_190 : i1 to i32
      %cond3A_192 = arith.constant 0 : i32
      %cond3A_193 = arith.cmpi ne, %convert_element_type3A_191, %cond3A_192 : i32
      scf.if %cond3A_193 {
        %add3A_220 = arith.addi %mul3A_2, %add3A_163 : i32
        %sub3A_221 = arith.constant 2 : i32
        %sub3A_222 = arith.subi %add3A_220, %sub3A_221 : i32
        %mul3A_223 = arith.constant 128 : i32
        %mul3A_224 = arith.muli %sub3A_222, %mul3A_223 : i32
        %dma_wait3A_225 = arith.constant 1 : i32
        %dma_wait3A_226 = arith.constant 0 : i32
        %dma_wait3A_227 = arith.constant 0 : i32
        %dma_wait3A_228 = tpu.memref_slice %arg11[%dma_wait3A_225, %dma_wait3A_226, %dma_wait3A_227] : memref<2x128x64xf32, #tpu.memory_space<vmem>> -> memref<1x128x64xf32, #tpu.memory_space<vmem>>
        %dma_wait3A_229 = tpu.memref_squeeze %dma_wait3A_228 : memref<1x128x64xf32, #tpu.memory_space<vmem>> -> memref<128x64xf32, #tpu.memory_space<vmem>>
        %dma_wait3A_230 = arith.constant 0 : i32
        %dma_wait3A_231 = tpu.memref_slice %arg6[%mul3A_224, %dma_wait3A_230] : memref<819200x64xf32, #tpu.memory_space<hbm>> -> memref<128x64xf32, #tpu.memory_space<hbm>>
        %dma_wait3A_232 = arith.constant 0 : i32
        %dma_wait3A_233 = tpu.memref_slice %arg6[%mul3A_224, %dma_wait3A_232] : memref<819200x64xf32, #tpu.memory_space<hbm>> -> memref<128x64xf32, #tpu.memory_space<hbm>>
        %dma_wait3A_234 = arith.constant 0 : i32
        %dma_wait3A_235 = arith.constant 0 : i32
        %dma_wait3A_236 = tpu.memref_slice %arg11[%dma_wait3A_225, %dma_wait3A_234, %dma_wait3A_235] : memref<2x128x64xf32, #tpu.memory_space<vmem>> -> memref<1x128x64xf32, #tpu.memory_space<vmem>>
        %dma_wait3A_237 = tpu.memref_squeeze %dma_wait3A_236 : memref<1x128x64xf32, #tpu.memory_space<vmem>> -> memref<128x64xf32, #tpu.memory_space<vmem>>
        tpu.wait_dma2 semaphore(%arg17 : memref<!tpu.dma_semaphore, #tpu.memory_space<semaphore_mem>>) src(%dma_wait3A_237 : memref<128x64xf32, #tpu.memory_space<vmem>>) dst(%dma_wait3A_233 : memref<128x64xf32, #tpu.memory_space<hbm>>)
      } else {
      }
      %scan3A_194 = arith.constant 0 : i32
      %scan3A_195 = arith.constant 0 : i32
      %scan3A_196 = arith.constant 32 : i32
      %scan3A_197 = arith.addi %scan3A_195, %scan3A_196 : i32
      %scan3A_198 = arith.constant 1 : i32
      %scan3A_199 = scf.for %scan3A_220 = %scan3A_195 to %scan3A_197 step %scan3A_198 iter_args(%scan3A_221 = %scan3A_194) -> (i32)  : i32 {
        %mul3A_222 = arith.constant 4 : i32
        %mul3A_223 = arith.muli %scan3A_220, %mul3A_222 : i32
        %add3A_224 = arith.constant 0 : i32
        %add3A_225 = arith.addi %mul3A_223, %add3A_224 : i32
        %get3A = arith.constant 1 : i32
        %get3A_226 = arith.index_cast %get3A : i32 to index
        %get3A_227 = arith.index_cast %add3A_225 : i32 to index
        %get3A_228 = arith.constant 0 : index
        %get3A_229 = tpu.vector_load %arg9[%get3A_226, %get3A_227, %get3A_228] {strides = array<i32>} : memref<2x128x64xf32, #tpu.memory_space<vmem>>, vector<1x1x16xf32>,
        %get3A_230 = vector.shape_cast %get3A_229 : vector<1x1x16xf32> to vector<16xf32>
        %mul3A_231 = arith.constant 4 : i32
        %mul3A_232 = arith.muli %scan3A_220, %mul3A_231 : i32
        %add3A_233 = arith.constant 0 : i32
        %add3A_234 = arith.addi %mul3A_232, %add3A_233 : i32
        %get3A_235 = arith.constant 1 : i32
        %get3A_236 = arith.index_cast %get3A_235 : i32 to index
        %get3A_237 = arith.index_cast %add3A_234 : i32 to index
        %get3A_238 = arith.constant 0 : index
        %get3A_239 = tpu.vector_load %arg10[%get3A_236, %get3A_237, %get3A_238] {strides = array<i32>} : memref<2x128x64xf32, #tpu.memory_space<vmem>>, vector<1x1x16xf32>,
        %get3A_240 = vector.shape_cast %get3A_239 : vector<1x1x16xf32> to vector<16xf32>
        %add3A_241 = arith.addf %get3A_230, %get3A_240 : vector<16xf32>
        %mul3A_242 = arith.constant 4 : i32
        %mul3A_243 = arith.muli %scan3A_220, %mul3A_242 : i32
        %add3A_244 = arith.constant 0 : i32
        %add3A_245 = arith.addi %mul3A_243, %add3A_244 : i32
        %swap3A = arith.constant 1 : i32
        %swap3A_246 = arith.index_cast %swap3A : i32 to index
        %swap3A_247 = arith.index_cast %add3A_245 : i32 to index
        %swap3A_248 = arith.constant 0 : index
        %swap3A_249 = tpu.vector_load %arg11[%swap3A_246, %swap3A_247, %swap3A_248] {strides = array<i32>} : memref<2x128x64xf32, #tpu.memory_space<vmem>>, vector<1x1x16xf32>,
        %swap3A_250 = vector.shape_cast %swap3A_249 : vector<1x1x16xf32> to vector<16xf32>
        %swap3A_251 = vector.shape_cast %add3A_241 : vector<16xf32> to vector<1x1x16xf32>
        tpu.vector_store %arg11[%swap3A_246, %swap3A_247, %swap3A_248], %swap3A_251 {strides = array<i32>} : memref<2x128x64xf32, #tpu.memory_space<vmem>>, vector<1x1x16xf32>,
        %mul3A_252 = arith.constant 4 : i32
        %mul3A_253 = arith.muli %scan3A_220, %mul3A_252 : i32
        %add3A_254 = arith.constant 0 : i32
        %add3A_255 = arith.addi %mul3A_253, %add3A_254 : i32
        %get3A_256 = arith.constant 1 : i32
        %get3A_257 = arith.index_cast %get3A_256 : i32 to index
        %get3A_258 = arith.index_cast %add3A_255 : i32 to index
        %get3A_259 = arith.constant 16 : index
        %get3A_260 = tpu.vector_load %arg9[%get3A_257, %get3A_258, %get3A_259] {strides = array<i32>} : memref<2x128x64xf32, #tpu.memory_space<vmem>>, vector<1x1x16xf32>,
        %get3A_261 = vector.shape_cast %get3A_260 : vector<1x1x16xf32> to vector<16xf32>
        %mul3A_262 = arith.constant 4 : i32
        %mul3A_263 = arith.muli %scan3A_220, %mul3A_262 : i32
        %add3A_264 = arith.constant 0 : i32
        %add3A_265 = arith.addi %mul3A_263, %add3A_264 : i32
        %get3A_266 = arith.constant 1 : i32
        %get3A_267 = arith.index_cast %get3A_266 : i32 to index
        %get3A_268 = arith.index_cast %add3A_265 : i32 to index
        %get3A_269 = arith.constant 16 : index
        %get3A_270 = tpu.vector_load %arg10[%get3A_267, %get3A_268, %get3A_269] {strides = array<i32>} : memref<2x128x64xf32, #tpu.memory_space<vmem>>, vector<1x1x16xf32>,
        %get3A_271 = vector.shape_cast %get3A_270 : vector<1x1x16xf32> to vector<16xf32>
        %add3A_272 = arith.addf %get3A_261, %get3A_271 : vector<16xf32>
        %mul3A_273 = arith.constant 4 : i32
        %mul3A_274 = arith.muli %scan3A_220, %mul3A_273 : i32
        %add3A_275 = arith.constant 0 : i32
        %add3A_276 = arith.addi %mul3A_274, %add3A_275 : i32
        %swap3A_277 = arith.constant 1 : i32
        %swap3A_278 = arith.index_cast %swap3A_277 : i32 to index
        %swap3A_279 = arith.index_cast %add3A_276 : i32 to index
        %swap3A_280 = arith.constant 16 : index
        %swap3A_281 = tpu.vector_load %arg11[%swap3A_278, %swap3A_279, %swap3A_280] {strides = array<i32>} : memref<2x128x64xf32, #tpu.memory_space<vmem>>, vector<1x1x16xf32>,
        %swap3A_282 = vector.shape_cast %swap3A_281 : vector<1x1x16xf32> to vector<16xf32>
        %swap3A_283 = vector.shape_cast %add3A_272 : vector<16xf32> to vector<1x1x16xf32>
        tpu.vector_store %arg11[%swap3A_278, %swap3A_279, %swap3A_280], %swap3A_283 {strides = array<i32>} : memref<2x128x64xf32, #tpu.memory_space<vmem>>, vector<1x1x16xf32>,
        %mul3A_284 = arith.constant 4 : i32
        %mul3A_285 = arith.muli %scan3A_220, %mul3A_284 : i32
        %add3A_286 = arith.constant 0 : i32
        %add3A_287 = arith.addi %mul3A_285, %add3A_286 : i32
        %get3A_288 = arith.constant 1 : i32
        %get3A_289 = arith.index_cast %get3A_288 : i32 to index
        %get3A_290 = arith.index_cast %add3A_287 : i32 to index
        %get3A_291 = arith.constant 32 : index
        %get3A_292 = tpu.vector_load %arg9[%get3A_289, %get3A_290, %get3A_291] {strides = array<i32>} : memref<2x128x64xf32, #tpu.memory_space<vmem>>, vector<1x1x16xf32>,
        %get3A_293 = vector.shape_cast %get3A_292 : vector<1x1x16xf32> to vector<16xf32>
        %mul3A_294 = arith.constant 4 : i32
        %mul3A_295 = arith.muli %scan3A_220, %mul3A_294 : i32
        %add3A_296 = arith.constant 0 : i32
        %add3A_297 = arith.addi %mul3A_295, %add3A_296 : i32
        %get3A_298 = arith.constant 1 : i32
        %get3A_299 = arith.index_cast %get3A_298 : i32 to index
        %get3A_300 = arith.index_cast %add3A_297 : i32 to index
        %get3A_301 = arith.constant 32 : index
        %get3A_302 = tpu.vector_load %arg10[%get3A_299, %get3A_300, %get3A_301] {strides = array<i32>} : memref<2x128x64xf32, #tpu.memory_space<vmem>>, vector<1x1x16xf32>,
        %get3A_303 = vector.shape_cast %get3A_302 : vector<1x1x16xf32> to vector<16xf32>
        %add3A_304 = arith.addf %get3A_293, %get3A_303 : vector<16xf32>
        %mul3A_305 = arith.constant 4 : i32
        %mul3A_306 = arith.muli %scan3A_220, %mul3A_305 : i32
        %add3A_307 = arith.constant 0 : i32
        %add3A_308 = arith.addi %mul3A_306, %add3A_307 : i32
        %swap3A_309 = arith.constant 1 : i32
        %swap3A_310 = arith.index_cast %swap3A_309 : i32 to index
        %swap3A_311 = arith.index_cast %add3A_308 : i32 to index
        %swap3A_312 = arith.constant 32 : index
        %swap3A_313 = tpu.vector_load %arg11[%swap3A_310, %swap3A_311, %swap3A_312] {strides = array<i32>} : memref<2x128x64xf32, #tpu.memory_space<vmem>>, vector<1x1x16xf32>,
        %swap3A_314 = vector.shape_cast %swap3A_313 : vector<1x1x16xf32> to vector<16xf32>
        %swap3A_315 = vector.shape_cast %add3A_304 : vector<16xf32> to vector<1x1x16xf32>
        tpu.vector_store %arg11[%swap3A_310, %swap3A_311, %swap3A_312], %swap3A_315 {strides = array<i32>} : memref<2x128x64xf32, #tpu.memory_space<vmem>>, vector<1x1x16xf32>,
        %mul3A_316 = arith.constant 4 : i32
        %mul3A_317 = arith.muli %scan3A_220, %mul3A_316 : i32
        %add3A_318 = arith.constant 0 : i32
        %add3A_319 = arith.addi %mul3A_317, %add3A_318 : i32
        %get3A_320 = arith.constant 1 : i32
        %get3A_321 = arith.index_cast %get3A_320 : i32 to index
        %get3A_322 = arith.index_cast %add3A_319 : i32 to index
        %get3A_323 = arith.constant 48 : index
        %get3A_324 = tpu.vector_load %arg9[%get3A_321, %get3A_322, %get3A_323] {strides = array<i32>} : memref<2x128x64xf32, #tpu.memory_space<vmem>>, vector<1x1x16xf32>,
        %get3A_325 = vector.shape_cast %get3A_324 : vector<1x1x16xf32> to vector<16xf32>
        %mul3A_326 = arith.constant 4 : i32
        %mul3A_327 = arith.muli %scan3A_220, %mul3A_326 : i32
        %add3A_328 = arith.constant 0 : i32
        %add3A_329 = arith.addi %mul3A_327, %add3A_328 : i32
        %get3A_330 = arith.constant 1 : i32
        %get3A_331 = arith.index_cast %get3A_330 : i32 to index
        %get3A_332 = arith.index_cast %add3A_329 : i32 to index
        %get3A_333 = arith.constant 48 : index
        %get3A_334 = tpu.vector_load %arg10[%get3A_331, %get3A_332, %get3A_333] {strides = array<i32>} : memref<2x128x64xf32, #tpu.memory_space<vmem>>, vector<1x1x16xf32>,
        %get3A_335 = vector.shape_cast %get3A_334 : vector<1x1x16xf32> to vector<16xf32>
        %add3A_336 = arith.addf %get3A_325, %get3A_335 : vector<16xf32>
        %mul3A_337 = arith.constant 4 : i32
        %mul3A_338 = arith.muli %scan3A_220, %mul3A_337 : i32
        %add3A_339 = arith.constant 0 : i32
        %add3A_340 = arith.addi %mul3A_338, %add3A_339 : i32
        %swap3A_341 = arith.constant 1 : i32
        %swap3A_342 = arith.index_cast %swap3A_341 : i32 to index
        %swap3A_343 = arith.index_cast %add3A_340 : i32 to index
        %swap3A_344 = arith.constant 48 : index
        %swap3A_345 = tpu.vector_load %arg11[%swap3A_342, %swap3A_343, %swap3A_344] {strides = array<i32>} : memref<2x128x64xf32, #tpu.memory_space<vmem>>, vector<1x1x16xf32>,
        %swap3A_346 = vector.shape_cast %swap3A_345 : vector<1x1x16xf32> to vector<16xf32>
        %swap3A_347 = vector.shape_cast %add3A_336 : vector<16xf32> to vector<1x1x16xf32>
        tpu.vector_store %arg11[%swap3A_342, %swap3A_343, %swap3A_344], %swap3A_347 {strides = array<i32>} : memref<2x128x64xf32, #tpu.memory_space<vmem>>, vector<1x1x16xf32>,
        %mul3A_348 = arith.constant 4 : i32
        %mul3A_349 = arith.muli %scan3A_220, %mul3A_348 : i32
        %add3A_350 = arith.constant 1 : i32
        %add3A_351 = arith.addi %mul3A_349, %add3A_350 : i32
        %get3A_352 = arith.constant 1 : i32
        %get3A_353 = arith.index_cast %get3A_352 : i32 to index
        %get3A_354 = arith.index_cast %add3A_351 : i32 to index
        %get3A_355 = arith.constant 0 : index
        %get3A_356 = tpu.vector_load %arg9[%get3A_353, %get3A_354, %get3A_355] {strides = array<i32>} : memref<2x128x64xf32, #tpu.memory_space<vmem>>, vector<1x1x16xf32>,
        %get3A_357 = vector.shape_cast %get3A_356 : vector<1x1x16xf32> to vector<16xf32>
        %mul3A_358 = arith.constant 4 : i32
        %mul3A_359 = arith.muli %scan3A_220, %mul3A_358 : i32
        %add3A_360 = arith.constant 1 : i32
        %add3A_361 = arith.addi %mul3A_359, %add3A_360 : i32
        %get3A_362 = arith.constant 1 : i32
        %get3A_363 = arith.index_cast %get3A_362 : i32 to index
        %get3A_364 = arith.index_cast %add3A_361 : i32 to index
        %get3A_365 = arith.constant 0 : index
        %get3A_366 = tpu.vector_load %arg10[%get3A_363, %get3A_364, %get3A_365] {strides = array<i32>} : memref<2x128x64xf32, #tpu.memory_space<vmem>>, vector<1x1x16xf32>,
        %get3A_367 = vector.shape_cast %get3A_366 : vector<1x1x16xf32> to vector<16xf32>
        %add3A_368 = arith.addf %get3A_357, %get3A_367 : vector<16xf32>
        %mul3A_369 = arith.constant 4 : i32
        %mul3A_370 = arith.muli %scan3A_220, %mul3A_369 : i32
        %add3A_371 = arith.constant 1 : i32
        %add3A_372 = arith.addi %mul3A_370, %add3A_371 : i32
        %swap3A_373 = arith.constant 1 : i32
        %swap3A_374 = arith.index_cast %swap3A_373 : i32 to index
        %swap3A_375 = arith.index_cast %add3A_372 : i32 to index
        %swap3A_376 = arith.constant 0 : index
        %swap3A_377 = tpu.vector_load %arg11[%swap3A_374, %swap3A_375, %swap3A_376] {strides = array<i32>} : memref<2x128x64xf32, #tpu.memory_space<vmem>>, vector<1x1x16xf32>,
        %swap3A_378 = vector.shape_cast %swap3A_377 : vector<1x1x16xf32> to vector<16xf32>
        %swap3A_379 = vector.shape_cast %add3A_368 : vector<16xf32> to vector<1x1x16xf32>
        tpu.vector_store %arg11[%swap3A_374, %swap3A_375, %swap3A_376], %swap3A_379 {strides = array<i32>} : memref<2x128x64xf32, #tpu.memory_space<vmem>>, vector<1x1x16xf32>,
        %mul3A_380 = arith.constant 4 : i32
        %mul3A_381 = arith.muli %scan3A_220, %mul3A_380 : i32
        %add3A_382 = arith.constant 1 : i32
        %add3A_383 = arith.addi %mul3A_381, %add3A_382 : i32
        %get3A_384 = arith.constant 1 : i32
        %get3A_385 = arith.index_cast %get3A_384 : i32 to index
        %get3A_386 = arith.index_cast %add3A_383 : i32 to index
        %get3A_387 = arith.constant 16 : index
        %get3A_388 = tpu.vector_load %arg9[%get3A_385, %get3A_386, %get3A_387] {strides = array<i32>} : memref<2x128x64xf32, #tpu.memory_space<vmem>>, vector<1x1x16xf32>,
        %get3A_389 = vector.shape_cast %get3A_388 : vector<1x1x16xf32> to vector<16xf32>
        %mul3A_390 = arith.constant 4 : i32
        %mul3A_391 = arith.muli %scan3A_220, %mul3A_390 : i32
        %add3A_392 = arith.constant 1 : i32
        %add3A_393 = arith.addi %mul3A_391, %add3A_392 : i32
        %get3A_394 = arith.constant 1 : i32
        %get3A_395 = arith.index_cast %get3A_394 : i32 to index
        %get3A_396 = arith.index_cast %add3A_393 : i32 to index
        %get3A_397 = arith.constant 16 : index
        %get3A_398 = tpu.vector_load %arg10[%get3A_395, %get3A_396, %get3A_397] {strides = array<i32>} : memref<2x128x64xf32, #tpu.memory_space<vmem>>, vector<1x1x16xf32>,
        %get3A_399 = vector.shape_cast %get3A_398 : vector<1x1x16xf32> to vector<16xf32>
        %add3A_400 = arith.addf %get3A_389, %get3A_399 : vector<16xf32>
        %mul3A_401 = arith.constant 4 : i32
        %mul3A_402 = arith.muli %scan3A_220, %mul3A_401 : i32
        %add3A_403 = arith.constant 1 : i32
        %add3A_404 = arith.addi %mul3A_402, %add3A_403 : i32
        %swap3A_405 = arith.constant 1 : i32
        %swap3A_406 = arith.index_cast %swap3A_405 : i32 to index
        %swap3A_407 = arith.index_cast %add3A_404 : i32 to index
        %swap3A_408 = arith.constant 16 : index
        %swap3A_409 = tpu.vector_load %arg11[%swap3A_406, %swap3A_407, %swap3A_408] {strides = array<i32>} : memref<2x128x64xf32, #tpu.memory_space<vmem>>, vector<1x1x16xf32>,
        %swap3A_410 = vector.shape_cast %swap3A_409 : vector<1x1x16xf32> to vector<16xf32>
        %swap3A_411 = vector.shape_cast %add3A_400 : vector<16xf32> to vector<1x1x16xf32>
        tpu.vector_store %arg11[%swap3A_406, %swap3A_407, %swap3A_408], %swap3A_411 {strides = array<i32>} : memref<2x128x64xf32, #tpu.memory_space<vmem>>, vector<1x1x16xf32>,
        %mul3A_412 = arith.constant 4 : i32
        %mul3A_413 = arith.muli %scan3A_220, %mul3A_412 : i32
        %add3A_414 = arith.constant 1 : i32
        %add3A_415 = arith.addi %mul3A_413, %add3A_414 : i32
        %get3A_416 = arith.constant 1 : i32
        %get3A_417 = arith.index_cast %get3A_416 : i32 to index
        %get3A_418 = arith.index_cast %add3A_415 : i32 to index
        %get3A_419 = arith.constant 32 : index
        %get3A_420 = tpu.vector_load %arg9[%get3A_417, %get3A_418, %get3A_419] {strides = array<i32>} : memref<2x128x64xf32, #tpu.memory_space<vmem>>, vector<1x1x16xf32>,
        %get3A_421 = vector.shape_cast %get3A_420 : vector<1x1x16xf32> to vector<16xf32>
        %mul3A_422 = arith.constant 4 : i32
        %mul3A_423 = arith.muli %scan3A_220, %mul3A_422 : i32
        %add3A_424 = arith.constant 1 : i32
        %add3A_425 = arith.addi %mul3A_423, %add3A_424 : i32
        %get3A_426 = arith.constant 1 : i32
        %get3A_427 = arith.index_cast %get3A_426 : i32 to index
        %get3A_428 = arith.index_cast %add3A_425 : i32 to index
        %get3A_429 = arith.constant 32 : index
        %get3A_430 = tpu.vector_load %arg10[%get3A_427, %get3A_428, %get3A_429] {strides = array<i32>} : memref<2x128x64xf32, #tpu.memory_space<vmem>>, vector<1x1x16xf32>,
        %get3A_431 = vector.shape_cast %get3A_430 : vector<1x1x16xf32> to vector<16xf32>
        %add3A_432 = arith.addf %get3A_421, %get3A_431 : vector<16xf32>
        %mul3A_433 = arith.constant 4 : i32
        %mul3A_434 = arith.muli %scan3A_220, %mul3A_433 : i32
        %add3A_435 = arith.constant 1 : i32
        %add3A_436 = arith.addi %mul3A_434, %add3A_435 : i32
        %swap3A_437 = arith.constant 1 : i32
        %swap3A_438 = arith.index_cast %swap3A_437 : i32 to index
        %swap3A_439 = arith.index_cast %add3A_436 : i32 to index
        %swap3A_440 = arith.constant 32 : index
        %swap3A_441 = tpu.vector_load %arg11[%swap3A_438, %swap3A_439, %swap3A_440] {strides = array<i32>} : memref<2x128x64xf32, #tpu.memory_space<vmem>>, vector<1x1x16xf32>,
        %swap3A_442 = vector.shape_cast %swap3A_441 : vector<1x1x16xf32> to vector<16xf32>
        %swap3A_443 = vector.shape_cast %add3A_432 : vector<16xf32> to vector<1x1x16xf32>
        tpu.vector_store %arg11[%swap3A_438, %swap3A_439, %swap3A_440], %swap3A_443 {strides = array<i32>} : memref<2x128x64xf32, #tpu.memory_space<vmem>>, vector<1x1x16xf32>,
        %mul3A_444 = arith.constant 4 : i32
        %mul3A_445 = arith.muli %scan3A_220, %mul3A_444 : i32
        %add3A_446 = arith.constant 1 : i32
        %add3A_447 = arith.addi %mul3A_445, %add3A_446 : i32
        %get3A_448 = arith.constant 1 : i32
        %get3A_449 = arith.index_cast %get3A_448 : i32 to index
        %get3A_450 = arith.index_cast %add3A_447 : i32 to index
        %get3A_451 = arith.constant 48 : index
        %get3A_452 = tpu.vector_load %arg9[%get3A_449, %get3A_450, %get3A_451] {strides = array<i32>} : memref<2x128x64xf32, #tpu.memory_space<vmem>>, vector<1x1x16xf32>,
        %get3A_453 = vector.shape_cast %get3A_452 : vector<1x1x16xf32> to vector<16xf32>
        %mul3A_454 = arith.constant 4 : i32
        %mul3A_455 = arith.muli %scan3A_220, %mul3A_454 : i32
        %add3A_456 = arith.constant 1 : i32
        %add3A_457 = arith.addi %mul3A_455, %add3A_456 : i32
        %get3A_458 = arith.constant 1 : i32
        %get3A_459 = arith.index_cast %get3A_458 : i32 to index
        %get3A_460 = arith.index_cast %add3A_457 : i32 to index
        %get3A_461 = arith.constant 48 : index
        %get3A_462 = tpu.vector_load %arg10[%get3A_459, %get3A_460, %get3A_461] {strides = array<i32>} : memref<2x128x64xf32, #tpu.memory_space<vmem>>, vector<1x1x16xf32>,
        %get3A_463 = vector.shape_cast %get3A_462 : vector<1x1x16xf32> to vector<16xf32>
        %add3A_464 = arith.addf %get3A_453, %get3A_463 : vector<16xf32>
        %mul3A_465 = arith.constant 4 : i32
        %mul3A_466 = arith.muli %scan3A_220, %mul3A_465 : i32
        %add3A_467 = arith.constant 1 : i32
        %add3A_468 = arith.addi %mul3A_466, %add3A_467 : i32
        %swap3A_469 = arith.constant 1 : i32
        %swap3A_470 = arith.index_cast %swap3A_469 : i32 to index
        %swap3A_471 = arith.index_cast %add3A_468 : i32 to index
        %swap3A_472 = arith.constant 48 : index
        %swap3A_473 = tpu.vector_load %arg11[%swap3A_470, %swap3A_471, %swap3A_472] {strides = array<i32>} : memref<2x128x64xf32, #tpu.memory_space<vmem>>, vector<1x1x16xf32>,
        %swap3A_474 = vector.shape_cast %swap3A_473 : vector<1x1x16xf32> to vector<16xf32>
        %swap3A_475 = vector.shape_cast %add3A_464 : vector<16xf32> to vector<1x1x16xf32>
        tpu.vector_store %arg11[%swap3A_470, %swap3A_471, %swap3A_472], %swap3A_475 {strides = array<i32>} : memref<2x128x64xf32, #tpu.memory_space<vmem>>, vector<1x1x16xf32>,
        %mul3A_476 = arith.constant 4 : i32
        %mul3A_477 = arith.muli %scan3A_220, %mul3A_476 : i32
        %add3A_478 = arith.constant 2 : i32
        %add3A_479 = arith.addi %mul3A_477, %add3A_478 : i32
        %get3A_480 = arith.constant 1 : i32
        %get3A_481 = arith.index_cast %get3A_480 : i32 to index
        %get3A_482 = arith.index_cast %add3A_479 : i32 to index
        %get3A_483 = arith.constant 0 : index
        %get3A_484 = tpu.vector_load %arg9[%get3A_481, %get3A_482, %get3A_483] {strides = array<i32>} : memref<2x128x64xf32, #tpu.memory_space<vmem>>, vector<1x1x16xf32>,
        %get3A_485 = vector.shape_cast %get3A_484 : vector<1x1x16xf32> to vector<16xf32>
        %mul3A_486 = arith.constant 4 : i32
        %mul3A_487 = arith.muli %scan3A_220, %mul3A_486 : i32
        %add3A_488 = arith.constant 2 : i32
        %add3A_489 = arith.addi %mul3A_487, %add3A_488 : i32
        %get3A_490 = arith.constant 1 : i32
        %get3A_491 = arith.index_cast %get3A_490 : i32 to index
        %get3A_492 = arith.index_cast %add3A_489 : i32 to index
        %get3A_493 = arith.constant 0 : index
        %get3A_494 = tpu.vector_load %arg10[%get3A_491, %get3A_492, %get3A_493] {strides = array<i32>} : memref<2x128x64xf32, #tpu.memory_space<vmem>>, vector<1x1x16xf32>,
        %get3A_495 = vector.shape_cast %get3A_494 : vector<1x1x16xf32> to vector<16xf32>
        %add3A_496 = arith.addf %get3A_485, %get3A_495 : vector<16xf32>
        %mul3A_497 = arith.constant 4 : i32
        %mul3A_498 = arith.muli %scan3A_220, %mul3A_497 : i32
        %add3A_499 = arith.constant 2 : i32
        %add3A_500 = arith.addi %mul3A_498, %add3A_499 : i32
        %swap3A_501 = arith.constant 1 : i32
        %swap3A_502 = arith.index_cast %swap3A_501 : i32 to index
        %swap3A_503 = arith.index_cast %add3A_500 : i32 to index
        %swap3A_504 = arith.constant 0 : index
        %swap3A_505 = tpu.vector_load %arg11[%swap3A_502, %swap3A_503, %swap3A_504] {strides = array<i32>} : memref<2x128x64xf32, #tpu.memory_space<vmem>>, vector<1x1x16xf32>,
        %swap3A_506 = vector.shape_cast %swap3A_505 : vector<1x1x16xf32> to vector<16xf32>
        %swap3A_507 = vector.shape_cast %add3A_496 : vector<16xf32> to vector<1x1x16xf32>
        tpu.vector_store %arg11[%swap3A_502, %swap3A_503, %swap3A_504], %swap3A_507 {strides = array<i32>} : memref<2x128x64xf32, #tpu.memory_space<vmem>>, vector<1x1x16xf32>,
        %mul3A_508 = arith.constant 4 : i32
        %mul3A_509 = arith.muli %scan3A_220, %mul3A_508 : i32
        %add3A_510 = arith.constant 2 : i32
        %add3A_511 = arith.addi %mul3A_509, %add3A_510 : i32
        %get3A_512 = arith.constant 1 : i32
        %get3A_513 = arith.index_cast %get3A_512 : i32 to index
        %get3A_514 = arith.index_cast %add3A_511 : i32 to index
        %get3A_515 = arith.constant 16 : index
        %get3A_516 = tpu.vector_load %arg9[%get3A_513, %get3A_514, %get3A_515] {strides = array<i32>} : memref<2x128x64xf32, #tpu.memory_space<vmem>>, vector<1x1x16xf32>,
        %get3A_517 = vector.shape_cast %get3A_516 : vector<1x1x16xf32> to vector<16xf32>
        %mul3A_518 = arith.constant 4 : i32
        %mul3A_519 = arith.muli %scan3A_220, %mul3A_518 : i32
        %add3A_520 = arith.constant 2 : i32
        %add3A_521 = arith.addi %mul3A_519, %add3A_520 : i32
        %get3A_522 = arith.constant 1 : i32
        %get3A_523 = arith.index_cast %get3A_522 : i32 to index
        %get3A_524 = arith.index_cast %add3A_521 : i32 to index
        %get3A_525 = arith.constant 16 : index
        %get3A_526 = tpu.vector_load %arg10[%get3A_523, %get3A_524, %get3A_525] {strides = array<i32>} : memref<2x128x64xf32, #tpu.memory_space<vmem>>, vector<1x1x16xf32>,
        %get3A_527 = vector.shape_cast %get3A_526 : vector<1x1x16xf32> to vector<16xf32>
        %add3A_528 = arith.addf %get3A_517, %get3A_527 : vector<16xf32>
        %mul3A_529 = arith.constant 4 : i32
        %mul3A_530 = arith.muli %scan3A_220, %mul3A_529 : i32
        %add3A_531 = arith.constant 2 : i32
        %add3A_532 = arith.addi %mul3A_530, %add3A_531 : i32
        %swap3A_533 = arith.constant 1 : i32
        %swap3A_534 = arith.index_cast %swap3A_533 : i32 to index
        %swap3A_535 = arith.index_cast %add3A_532 : i32 to index
        %swap3A_536 = arith.constant 16 : index
        %swap3A_537 = tpu.vector_load %arg11[%swap3A_534, %swap3A_535, %swap3A_536] {strides = array<i32>} : memref<2x128x64xf32, #tpu.memory_space<vmem>>, vector<1x1x16xf32>,
        %swap3A_538 = vector.shape_cast %swap3A_537 : vector<1x1x16xf32> to vector<16xf32>
        %swap3A_539 = vector.shape_cast %add3A_528 : vector<16xf32> to vector<1x1x16xf32>
        tpu.vector_store %arg11[%swap3A_534, %swap3A_535, %swap3A_536], %swap3A_539 {strides = array<i32>} : memref<2x128x64xf32, #tpu.memory_space<vmem>>, vector<1x1x16xf32>,
        %mul3A_540 = arith.constant 4 : i32
        %mul3A_541 = arith.muli %scan3A_220, %mul3A_540 : i32
        %add3A_542 = arith.constant 2 : i32
        %add3A_543 = arith.addi %mul3A_541, %add3A_542 : i32
        %get3A_544 = arith.constant 1 : i32
        %get3A_545 = arith.index_cast %get3A_544 : i32 to index
        %get3A_546 = arith.index_cast %add3A_543 : i32 to index
        %get3A_547 = arith.constant 32 : index
        %get3A_548 = tpu.vector_load %arg9[%get3A_545, %get3A_546, %get3A_547] {strides = array<i32>} : memref<2x128x64xf32, #tpu.memory_space<vmem>>, vector<1x1x16xf32>,
        %get3A_549 = vector.shape_cast %get3A_548 : vector<1x1x16xf32> to vector<16xf32>
        %mul3A_550 = arith.constant 4 : i32
        %mul3A_551 = arith.muli %scan3A_220, %mul3A_550 : i32
        %add3A_552 = arith.constant 2 : i32
        %add3A_553 = arith.addi %mul3A_551, %add3A_552 : i32
        %get3A_554 = arith.constant 1 : i32
        %get3A_555 = arith.index_cast %get3A_554 : i32 to index
        %get3A_556 = arith.index_cast %add3A_553 : i32 to index
        %get3A_557 = arith.constant 32 : index
        %get3A_558 = tpu.vector_load %arg10[%get3A_555, %get3A_556, %get3A_557] {strides = array<i32>} : memref<2x128x64xf32, #tpu.memory_space<vmem>>, vector<1x1x16xf32>,
        %get3A_559 = vector.shape_cast %get3A_558 : vector<1x1x16xf32> to vector<16xf32>
        %add3A_560 = arith.addf %get3A_549, %get3A_559 : vector<16xf32>
        %mul3A_561 = arith.constant 4 : i32
        %mul3A_562 = arith.muli %scan3A_220, %mul3A_561 : i32
        %add3A_563 = arith.constant 2 : i32
        %add3A_564 = arith.addi %mul3A_562, %add3A_563 : i32
        %swap3A_565 = arith.constant 1 : i32
        %swap3A_566 = arith.index_cast %swap3A_565 : i32 to index
        %swap3A_567 = arith.index_cast %add3A_564 : i32 to index
        %swap3A_568 = arith.constant 32 : index
        %swap3A_569 = tpu.vector_load %arg11[%swap3A_566, %swap3A_567, %swap3A_568] {strides = array<i32>} : memref<2x128x64xf32, #tpu.memory_space<vmem>>, vector<1x1x16xf32>,
        %swap3A_570 = vector.shape_cast %swap3A_569 : vector<1x1x16xf32> to vector<16xf32>
        %swap3A_571 = vector.shape_cast %add3A_560 : vector<16xf32> to vector<1x1x16xf32>
        tpu.vector_store %arg11[%swap3A_566, %swap3A_567, %swap3A_568], %swap3A_571 {strides = array<i32>} : memref<2x128x64xf32, #tpu.memory_space<vmem>>, vector<1x1x16xf32>,
        %mul3A_572 = arith.constant 4 : i32
        %mul3A_573 = arith.muli %scan3A_220, %mul3A_572 : i32
        %add3A_574 = arith.constant 2 : i32
        %add3A_575 = arith.addi %mul3A_573, %add3A_574 : i32
        %get3A_576 = arith.constant 1 : i32
        %get3A_577 = arith.index_cast %get3A_576 : i32 to index
        %get3A_578 = arith.index_cast %add3A_575 : i32 to index
        %get3A_579 = arith.constant 48 : index
        %get3A_580 = tpu.vector_load %arg9[%get3A_577, %get3A_578, %get3A_579] {strides = array<i32>} : memref<2x128x64xf32, #tpu.memory_space<vmem>>, vector<1x1x16xf32>,
        %get3A_581 = vector.shape_cast %get3A_580 : vector<1x1x16xf32> to vector<16xf32>
        %mul3A_582 = arith.constant 4 : i32
        %mul3A_583 = arith.muli %scan3A_220, %mul3A_582 : i32
        %add3A_584 = arith.constant 2 : i32
        %add3A_585 = arith.addi %mul3A_583, %add3A_584 : i32
        %get3A_586 = arith.constant 1 : i32
        %get3A_587 = arith.index_cast %get3A_586 : i32 to index
        %get3A_588 = arith.index_cast %add3A_585 : i32 to index
        %get3A_589 = arith.constant 48 : index
        %get3A_590 = tpu.vector_load %arg10[%get3A_587, %get3A_588, %get3A_589] {strides = array<i32>} : memref<2x128x64xf32, #tpu.memory_space<vmem>>, vector<1x1x16xf32>,
        %get3A_591 = vector.shape_cast %get3A_590 : vector<1x1x16xf32> to vector<16xf32>
        %add3A_592 = arith.addf %get3A_581, %get3A_591 : vector<16xf32>
        %mul3A_593 = arith.constant 4 : i32
        %mul3A_594 = arith.muli %scan3A_220, %mul3A_593 : i32
        %add3A_595 = arith.constant 2 : i32
        %add3A_596 = arith.addi %mul3A_594, %add3A_595 : i32
        %swap3A_597 = arith.constant 1 : i32
        %swap3A_598 = arith.index_cast %swap3A_597 : i32 to index
        %swap3A_599 = arith.index_cast %add3A_596 : i32 to index
        %swap3A_600 = arith.constant 48 : index
        %swap3A_601 = tpu.vector_load %arg11[%swap3A_598, %swap3A_599, %swap3A_600] {strides = array<i32>} : memref<2x128x64xf32, #tpu.memory_space<vmem>>, vector<1x1x16xf32>,
        %swap3A_602 = vector.shape_cast %swap3A_601 : vector<1x1x16xf32> to vector<16xf32>
        %swap3A_603 = vector.shape_cast %add3A_592 : vector<16xf32> to vector<1x1x16xf32>
        tpu.vector_store %arg11[%swap3A_598, %swap3A_599, %swap3A_600], %swap3A_603 {strides = array<i32>} : memref<2x128x64xf32, #tpu.memory_space<vmem>>, vector<1x1x16xf32>,
        %mul3A_604 = arith.constant 4 : i32
        %mul3A_605 = arith.muli %scan3A_220, %mul3A_604 : i32
        %add3A_606 = arith.constant 3 : i32
        %add3A_607 = arith.addi %mul3A_605, %add3A_606 : i32
        %get3A_608 = arith.constant 1 : i32
        %get3A_609 = arith.index_cast %get3A_608 : i32 to index
        %get3A_610 = arith.index_cast %add3A_607 : i32 to index
        %get3A_611 = arith.constant 0 : index
        %get3A_612 = tpu.vector_load %arg9[%get3A_609, %get3A_610, %get3A_611] {strides = array<i32>} : memref<2x128x64xf32, #tpu.memory_space<vmem>>, vector<1x1x16xf32>,
        %get3A_613 = vector.shape_cast %get3A_612 : vector<1x1x16xf32> to vector<16xf32>
        %mul3A_614 = arith.constant 4 : i32
        %mul3A_615 = arith.muli %scan3A_220, %mul3A_614 : i32
        %add3A_616 = arith.constant 3 : i32
        %add3A_617 = arith.addi %mul3A_615, %add3A_616 : i32
        %get3A_618 = arith.constant 1 : i32
        %get3A_619 = arith.index_cast %get3A_618 : i32 to index
        %get3A_620 = arith.index_cast %add3A_617 : i32 to index
        %get3A_621 = arith.constant 0 : index
        %get3A_622 = tpu.vector_load %arg10[%get3A_619, %get3A_620, %get3A_621] {strides = array<i32>} : memref<2x128x64xf32, #tpu.memory_space<vmem>>, vector<1x1x16xf32>,
        %get3A_623 = vector.shape_cast %get3A_622 : vector<1x1x16xf32> to vector<16xf32>
        %add3A_624 = arith.addf %get3A_613, %get3A_623 : vector<16xf32>
        %mul3A_625 = arith.constant 4 : i32
        %mul3A_626 = arith.muli %scan3A_220, %mul3A_625 : i32
        %add3A_627 = arith.constant 3 : i32
        %add3A_628 = arith.addi %mul3A_626, %add3A_627 : i32
        %swap3A_629 = arith.constant 1 : i32
        %swap3A_630 = arith.index_cast %swap3A_629 : i32 to index
        %swap3A_631 = arith.index_cast %add3A_628 : i32 to index
        %swap3A_632 = arith.constant 0 : index
        %swap3A_633 = tpu.vector_load %arg11[%swap3A_630, %swap3A_631, %swap3A_632] {strides = array<i32>} : memref<2x128x64xf32, #tpu.memory_space<vmem>>, vector<1x1x16xf32>,
        %swap3A_634 = vector.shape_cast %swap3A_633 : vector<1x1x16xf32> to vector<16xf32>
        %swap3A_635 = vector.shape_cast %add3A_624 : vector<16xf32> to vector<1x1x16xf32>
        tpu.vector_store %arg11[%swap3A_630, %swap3A_631, %swap3A_632], %swap3A_635 {strides = array<i32>} : memref<2x128x64xf32, #tpu.memory_space<vmem>>, vector<1x1x16xf32>,
        %mul3A_636 = arith.constant 4 : i32
        %mul3A_637 = arith.muli %scan3A_220, %mul3A_636 : i32
        %add3A_638 = arith.constant 3 : i32
        %add3A_639 = arith.addi %mul3A_637, %add3A_638 : i32
        %get3A_640 = arith.constant 1 : i32
        %get3A_641 = arith.index_cast %get3A_640 : i32 to index
        %get3A_642 = arith.index_cast %add3A_639 : i32 to index
        %get3A_643 = arith.constant 16 : index
        %get3A_644 = tpu.vector_load %arg9[%get3A_641, %get3A_642, %get3A_643] {strides = array<i32>} : memref<2x128x64xf32, #tpu.memory_space<vmem>>, vector<1x1x16xf32>,
        %get3A_645 = vector.shape_cast %get3A_644 : vector<1x1x16xf32> to vector<16xf32>
        %mul3A_646 = arith.constant 4 : i32
        %mul3A_647 = arith.muli %scan3A_220, %mul3A_646 : i32
        %add3A_648 = arith.constant 3 : i32
        %add3A_649 = arith.addi %mul3A_647, %add3A_648 : i32
        %get3A_650 = arith.constant 1 : i32
        %get3A_651 = arith.index_cast %get3A_650 : i32 to index
        %get3A_652 = arith.index_cast %add3A_649 : i32 to index
        %get3A_653 = arith.constant 16 : index
        %get3A_654 = tpu.vector_load %arg10[%get3A_651, %get3A_652, %get3A_653] {strides = array<i32>} : memref<2x128x64xf32, #tpu.memory_space<vmem>>, vector<1x1x16xf32>,
        %get3A_655 = vector.shape_cast %get3A_654 : vector<1x1x16xf32> to vector<16xf32>
        %add3A_656 = arith.addf %get3A_645, %get3A_655 : vector<16xf32>
        %mul3A_657 = arith.constant 4 : i32
        %mul3A_658 = arith.muli %scan3A_220, %mul3A_657 : i32
        %add3A_659 = arith.constant 3 : i32
        %add3A_660 = arith.addi %mul3A_658, %add3A_659 : i32
        %swap3A_661 = arith.constant 1 : i32
        %swap3A_662 = arith.index_cast %swap3A_661 : i32 to index
        %swap3A_663 = arith.index_cast %add3A_660 : i32 to index
        %swap3A_664 = arith.constant 16 : index
        %swap3A_665 = tpu.vector_load %arg11[%swap3A_662, %swap3A_663, %swap3A_664] {strides = array<i32>} : memref<2x128x64xf32, #tpu.memory_space<vmem>>, vector<1x1x16xf32>,
        %swap3A_666 = vector.shape_cast %swap3A_665 : vector<1x1x16xf32> to vector<16xf32>
        %swap3A_667 = vector.shape_cast %add3A_656 : vector<16xf32> to vector<1x1x16xf32>
        tpu.vector_store %arg11[%swap3A_662, %swap3A_663, %swap3A_664], %swap3A_667 {strides = array<i32>} : memref<2x128x64xf32, #tpu.memory_space<vmem>>, vector<1x1x16xf32>,
        %mul3A_668 = arith.constant 4 : i32
        %mul3A_669 = arith.muli %scan3A_220, %mul3A_668 : i32
        %add3A_670 = arith.constant 3 : i32
        %add3A_671 = arith.addi %mul3A_669, %add3A_670 : i32
        %get3A_672 = arith.constant 1 : i32
        %get3A_673 = arith.index_cast %get3A_672 : i32 to index
        %get3A_674 = arith.index_cast %add3A_671 : i32 to index
        %get3A_675 = arith.constant 32 : index
        %get3A_676 = tpu.vector_load %arg9[%get3A_673, %get3A_674, %get3A_675] {strides = array<i32>} : memref<2x128x64xf32, #tpu.memory_space<vmem>>, vector<1x1x16xf32>,
        %get3A_677 = vector.shape_cast %get3A_676 : vector<1x1x16xf32> to vector<16xf32>
        %mul3A_678 = arith.constant 4 : i32
        %mul3A_679 = arith.muli %scan3A_220, %mul3A_678 : i32
        %add3A_680 = arith.constant 3 : i32
        %add3A_681 = arith.addi %mul3A_679, %add3A_680 : i32
        %get3A_682 = arith.constant 1 : i32
        %get3A_683 = arith.index_cast %get3A_682 : i32 to index
        %get3A_684 = arith.index_cast %add3A_681 : i32 to index
        %get3A_685 = arith.constant 32 : index
        %get3A_686 = tpu.vector_load %arg10[%get3A_683, %get3A_684, %get3A_685] {strides = array<i32>} : memref<2x128x64xf32, #tpu.memory_space<vmem>>, vector<1x1x16xf32>,
        %get3A_687 = vector.shape_cast %get3A_686 : vector<1x1x16xf32> to vector<16xf32>
        %add3A_688 = arith.addf %get3A_677, %get3A_687 : vector<16xf32>
        %mul3A_689 = arith.constant 4 : i32
        %mul3A_690 = arith.muli %scan3A_220, %mul3A_689 : i32
        %add3A_691 = arith.constant 3 : i32
        %add3A_692 = arith.addi %mul3A_690, %add3A_691 : i32
        %swap3A_693 = arith.constant 1 : i32
        %swap3A_694 = arith.index_cast %swap3A_693 : i32 to index
        %swap3A_695 = arith.index_cast %add3A_692 : i32 to index
        %swap3A_696 = arith.constant 32 : index
        %swap3A_697 = tpu.vector_load %arg11[%swap3A_694, %swap3A_695, %swap3A_696] {strides = array<i32>} : memref<2x128x64xf32, #tpu.memory_space<vmem>>, vector<1x1x16xf32>,
        %swap3A_698 = vector.shape_cast %swap3A_697 : vector<1x1x16xf32> to vector<16xf32>
        %swap3A_699 = vector.shape_cast %add3A_688 : vector<16xf32> to vector<1x1x16xf32>
        tpu.vector_store %arg11[%swap3A_694, %swap3A_695, %swap3A_696], %swap3A_699 {strides = array<i32>} : memref<2x128x64xf32, #tpu.memory_space<vmem>>, vector<1x1x16xf32>,
        %mul3A_700 = arith.constant 4 : i32
        %mul3A_701 = arith.muli %scan3A_220, %mul3A_700 : i32
        %add3A_702 = arith.constant 3 : i32
        %add3A_703 = arith.addi %mul3A_701, %add3A_702 : i32
        %get3A_704 = arith.constant 1 : i32
        %get3A_705 = arith.index_cast %get3A_704 : i32 to index
        %get3A_706 = arith.index_cast %add3A_703 : i32 to index
        %get3A_707 = arith.constant 48 : index
        %get3A_708 = tpu.vector_load %arg9[%get3A_705, %get3A_706, %get3A_707] {strides = array<i32>} : memref<2x128x64xf32, #tpu.memory_space<vmem>>, vector<1x1x16xf32>,
        %get3A_709 = vector.shape_cast %get3A_708 : vector<1x1x16xf32> to vector<16xf32>
        %mul3A_710 = arith.constant 4 : i32
        %mul3A_711 = arith.muli %scan3A_220, %mul3A_710 : i32
        %add3A_712 = arith.constant 3 : i32
        %add3A_713 = arith.addi %mul3A_711, %add3A_712 : i32
        %get3A_714 = arith.constant 1 : i32
        %get3A_715 = arith.index_cast %get3A_714 : i32 to index
        %get3A_716 = arith.index_cast %add3A_713 : i32 to index
        %get3A_717 = arith.constant 48 : index
        %get3A_718 = tpu.vector_load %arg10[%get3A_715, %get3A_716, %get3A_717] {strides = array<i32>} : memref<2x128x64xf32, #tpu.memory_space<vmem>>, vector<1x1x16xf32>,
        %get3A_719 = vector.shape_cast %get3A_718 : vector<1x1x16xf32> to vector<16xf32>
        %add3A_720 = arith.addf %get3A_709, %get3A_719 : vector<16xf32>
        %mul3A_721 = arith.constant 4 : i32
        %mul3A_722 = arith.muli %scan3A_220, %mul3A_721 : i32
        %add3A_723 = arith.constant 3 : i32
        %add3A_724 = arith.addi %mul3A_722, %add3A_723 : i32
        %swap3A_725 = arith.constant 1 : i32
        %swap3A_726 = arith.index_cast %swap3A_725 : i32 to index
        %swap3A_727 = arith.index_cast %add3A_724 : i32 to index
        %swap3A_728 = arith.constant 48 : index
        %swap3A_729 = tpu.vector_load %arg11[%swap3A_726, %swap3A_727, %swap3A_728] {strides = array<i32>} : memref<2x128x64xf32, #tpu.memory_space<vmem>>, vector<1x1x16xf32>,
        %swap3A_730 = vector.shape_cast %swap3A_729 : vector<1x1x16xf32> to vector<16xf32>
        %swap3A_731 = vector.shape_cast %add3A_720 : vector<16xf32> to vector<1x1x16xf32>
        tpu.vector_store %arg11[%swap3A_726, %swap3A_727, %swap3A_728], %swap3A_731 {strides = array<i32>} : memref<2x128x64xf32, #tpu.memory_space<vmem>>, vector<1x1x16xf32>,
        %scan3A_732 = arith.constant 0 : i32
        scf.yield %scan3A_732 : i32
      }
      %scan3A_200 = arith.constant 32 : i32
      %dma_start3A_201 = arith.constant 1 : i32
      %dma_start3A_202 = arith.constant 0 : i32
      %dma_start3A_203 = arith.constant 0 : i32
      %dma_start3A_204 = tpu.memref_slice %arg11[%dma_start3A_201, %dma_start3A_202, %dma_start3A_203] : memref<2x128x64xf32, #tpu.memory_space<vmem>> -> memref<1x128x64xf32, #tpu.memory_space<vmem>>
      %dma_start3A_205 = tpu.memref_squeeze %dma_start3A_204 : memref<1x128x64xf32, #tpu.memory_space<vmem>> -> memref<128x64xf32, #tpu.memory_space<vmem>>
      %dma_start3A_206 = arith.constant 0 : i32
      %dma_start3A_207 = tpu.memref_slice %arg6[%mul3A_188, %dma_start3A_206] : memref<819200x64xf32, #tpu.memory_space<hbm>> -> memref<128x64xf32, #tpu.memory_space<hbm>>
      %dma_start3A_208 = arith.constant 0 : i32
      %dma_start3A_209 = tpu.memref_slice %arg6[%mul3A_188, %dma_start3A_208] : memref<819200x64xf32, #tpu.memory_space<hbm>> -> memref<128x64xf32, #tpu.memory_space<hbm>>
      %dma_start3A_210 = arith.constant 0 : i32
      %dma_start3A_211 = arith.constant 0 : i32
      %dma_start3A_212 = tpu.memref_slice %arg11[%dma_start3A_201, %dma_start3A_210, %dma_start3A_211] : memref<2x128x64xf32, #tpu.memory_space<vmem>> -> memref<1x128x64xf32, #tpu.memory_space<vmem>>
      %dma_start3A_213 = tpu.memref_squeeze %dma_start3A_212 : memref<1x128x64xf32, #tpu.memory_space<vmem>> -> memref<128x64xf32, #tpu.memory_space<vmem>>
      tpu.enqueue_dma source(%dma_start3A_213 : memref<128x64xf32, #tpu.memory_space<vmem>>) target(%dma_start3A_209 : memref<128x64xf32, #tpu.memory_space<hbm>>) target_semaphore(%arg17 : memref<!tpu.dma_semaphore, #tpu.memory_space<semaphore_mem>>)
      %lt3A_214 = arith.constant 99 : i32
      %lt3A_215 = arith.cmpi slt, %scan3A_103, %lt3A_214 : i32
      %convert_element_type3A_216 = arith.extui %lt3A_215 : i1 to i32
      %cond3A_217 = arith.constant 0 : i32
      %cond3A_218 = arith.cmpi ne, %convert_element_type3A_216, %cond3A_217 : i32
      scf.if %cond3A_218 {
        %add3A_220 = arith.constant 2 : i32
        %add3A_221 = arith.addi %add3A_163, %add3A_220 : i32
        %dma_start3A_222 = arith.constant 1 : i32
        %dma_start3A_223 = arith.constant 0 : i32
        %dma_start3A_224 = arith.constant 0 : i32
        %dma_start3A_225 = tpu.memref_slice %arg9[%dma_start3A_222, %dma_start3A_223, %dma_start3A_224] : memref<2x128x64xf32, #tpu.memory_space<vmem>> -> memref<1x128x64xf32, #tpu.memory_space<vmem>>
        %dma_start3A_226 = tpu.memref_squeeze %dma_start3A_225 : memref<1x128x64xf32, #tpu.memory_space<vmem>> -> memref<128x64xf32, #tpu.memory_space<vmem>>
        %dma_start3A_227 = arith.constant 0 : i32
        %dma_start3A_228 = tpu.memref_slice %arg7[%add3A_221, %dma_start3A_227] : memref<200x128xi32, #tpu.memory_space<vmem>> -> memref<1x128xi32, #tpu.memory_space<vmem>>
        %dma_start3A_229 = tpu.memref_squeeze %dma_start3A_228 : memref<1x128xi32, #tpu.memory_space<vmem>> -> memref<128xi32, #tpu.memory_space<vmem>>
        %dma_start3A_230 = arith.constant 0 : i32
        %dma_start3A_231 = arith.constant 0 : i32
        %dma_start3A_232 = tpu.memref_slice %arg4[%dma_start3A_230, %dma_start3A_231] : memref<1000000x64xf32, #tpu.memory_space<hbm>> -> memref<1000000x64xf32, #tpu.memory_space<hbm>>
        tpu.enqueue_indirect_dma source(%dma_start3A_232 : memref<1000000x64xf32, #tpu.memory_space<hbm>>) target(%dma_start3A_226 : memref<128x64xf32, #tpu.memory_space<vmem>>) offsets(%dma_start3A_229 : memref<128xi32, #tpu.memory_space<vmem>>) semaphore(%arg13 : memref<!tpu.dma_semaphore, #tpu.memory_space<semaphore_mem>>)
        %dma_start3A_233 = arith.constant 1 : i32
        %dma_start3A_234 = arith.constant 0 : i32
        %dma_start3A_235 = arith.constant 0 : i32
        %dma_start3A_236 = tpu.memref_slice %arg10[%dma_start3A_233, %dma_start3A_234, %dma_start3A_235] : memref<2x128x64xf32, #tpu.memory_space<vmem>> -> memref<1x128x64xf32, #tpu.memory_space<vmem>>
        %dma_start3A_237 = tpu.memref_squeeze %dma_start3A_236 : memref<1x128x64xf32, #tpu.memory_space<vmem>> -> memref<128x64xf32, #tpu.memory_space<vmem>>
        %dma_start3A_238 = arith.constant 0 : i32
        %dma_start3A_239 = tpu.memref_slice %arg8[%add3A_221, %dma_start3A_238] : memref<200x128xi32, #tpu.memory_space<vmem>> -> memref<1x128xi32, #tpu.memory_space<vmem>>
        %dma_start3A_240 = tpu.memref_squeeze %dma_start3A_239 : memref<1x128xi32, #tpu.memory_space<vmem>> -> memref<128xi32, #tpu.memory_space<vmem>>
        %dma_start3A_241 = arith.constant 0 : i32
        %dma_start3A_242 = arith.constant 0 : i32
        %dma_start3A_243 = tpu.memref_slice %arg5[%dma_start3A_241, %dma_start3A_242] : memref<600x64xf32, #tpu.memory_space<hbm>> -> memref<600x64xf32, #tpu.memory_space<hbm>>
        tpu.enqueue_indirect_dma source(%dma_start3A_243 : memref<600x64xf32, #tpu.memory_space<hbm>>) target(%dma_start3A_237 : memref<128x64xf32, #tpu.memory_space<vmem>>) offsets(%dma_start3A_240 : memref<128xi32, #tpu.memory_space<vmem>>) semaphore(%arg15 : memref<!tpu.dma_semaphore, #tpu.memory_space<semaphore_mem>>)
      } else {
      }
      %scan3A_219 = arith.constant 0 : i32
      scf.yield %scan3A_219 : i32
    }
    %scan3A_62 = arith.constant 100 : i32
    %add3A_63 = arith.constant 200 : i32
    %add3A_64 = arith.addi %mul3A_2, %add3A_63 : i32
    %sub3A = arith.constant 2 : i32
    %sub3A_65 = arith.subi %add3A_64, %sub3A : i32
    %add3A_66 = arith.constant 0 : i32
    %add3A_67 = arith.addi %sub3A_65, %add3A_66 : i32
    %mul3A_68 = arith.constant 128 : i32
    %mul3A_69 = arith.muli %add3A_67, %mul3A_68 : i32
    %dma_wait3A = arith.constant 0 : i32
    %dma_wait3A_70 = arith.constant 0 : i32
    %dma_wait3A_71 = arith.constant 0 : i32
    %dma_wait3A_72 = tpu.memref_slice %arg11[%dma_wait3A, %dma_wait3A_70, %dma_wait3A_71] : memref<2x128x64xf32, #tpu.memory_space<vmem>> -> memref<1x128x64xf32, #tpu.memory_space<vmem>>
    %dma_wait3A_73 = tpu.memref_squeeze %dma_wait3A_72 : memref<1x128x64xf32, #tpu.memory_space<vmem>> -> memref<128x64xf32, #tpu.memory_space<vmem>>
    %dma_wait3A_74 = arith.constant 0 : i32
    %dma_wait3A_75 = tpu.memref_slice %arg6[%mul3A_69, %dma_wait3A_74] : memref<819200x64xf32, #tpu.memory_space<hbm>> -> memref<128x64xf32, #tpu.memory_space<hbm>>
    %dma_wait3A_76 = arith.constant 0 : i32
    %dma_wait3A_77 = tpu.memref_slice %arg6[%mul3A_69, %dma_wait3A_76] : memref<819200x64xf32, #tpu.memory_space<hbm>> -> memref<128x64xf32, #tpu.memory_space<hbm>>
    %dma_wait3A_78 = arith.constant 0 : i32
    %dma_wait3A_79 = arith.constant 0 : i32
    %dma_wait3A_80 = tpu.memref_slice %arg11[%dma_wait3A, %dma_wait3A_78, %dma_wait3A_79] : memref<2x128x64xf32, #tpu.memory_space<vmem>> -> memref<1x128x64xf32, #tpu.memory_space<vmem>>
    %dma_wait3A_81 = tpu.memref_squeeze %dma_wait3A_80 : memref<1x128x64xf32, #tpu.memory_space<vmem>> -> memref<128x64xf32, #tpu.memory_space<vmem>>
    tpu.wait_dma2 semaphore(%arg16 : memref<!tpu.dma_semaphore, #tpu.memory_space<semaphore_mem>>) src(%dma_wait3A_81 : memref<128x64xf32, #tpu.memory_space<vmem>>) dst(%dma_wait3A_77 : memref<128x64xf32, #tpu.memory_space<hbm>>)
    %add3A_82 = arith.constant 200 : i32
    %add3A_83 = arith.addi %mul3A_2, %add3A_82 : i32
    %sub3A_84 = arith.constant 2 : i32
    %sub3A_85 = arith.subi %add3A_83, %sub3A_84 : i32
    %add3A_86 = arith.constant 1 : i32
    %add3A_87 = arith.addi %sub3A_85, %add3A_86 : i32
    %mul3A_88 = arith.constant 128 : i32
    %mul3A_89 = arith.muli %add3A_87, %mul3A_88 : i32
    %dma_wait3A_90 = arith.constant 1 : i32
    %dma_wait3A_91 = arith.constant 0 : i32
    %dma_wait3A_92 = arith.constant 0 : i32
    %dma_wait3A_93 = tpu.memref_slice %arg11[%dma_wait3A_90, %dma_wait3A_91, %dma_wait3A_92] : memref<2x128x64xf32, #tpu.memory_space<vmem>> -> memref<1x128x64xf32, #tpu.memory_space<vmem>>
    %dma_wait3A_94 = tpu.memref_squeeze %dma_wait3A_93 : memref<1x128x64xf32, #tpu.memory_space<vmem>> -> memref<128x64xf32, #tpu.memory_space<vmem>>
    %dma_wait3A_95 = arith.constant 0 : i32
    %dma_wait3A_96 = tpu.memref_slice %arg6[%mul3A_89, %dma_wait3A_95] : memref<819200x64xf32, #tpu.memory_space<hbm>> -> memref<128x64xf32, #tpu.memory_space<hbm>>
    %dma_wait3A_97 = arith.constant 0 : i32
    %dma_wait3A_98 = tpu.memref_slice %arg6[%mul3A_89, %dma_wait3A_97] : memref<819200x64xf32, #tpu.memory_space<hbm>> -> memref<128x64xf32, #tpu.memory_space<hbm>>
    %dma_wait3A_99 = arith.constant 0 : i32
    %dma_wait3A_100 = arith.constant 0 : i32
    %dma_wait3A_101 = tpu.memref_slice %arg11[%dma_wait3A_90, %dma_wait3A_99, %dma_wait3A_100] : memref<2x128x64xf32, #tpu.memory_space<vmem>> -> memref<1x128x64xf32, #tpu.memory_space<vmem>>
    %dma_wait3A_102 = tpu.memref_squeeze %dma_wait3A_101 : memref<1x128x64xf32, #tpu.memory_space<vmem>> -> memref<128x64xf32, #tpu.memory_space<vmem>>
    tpu.wait_dma2 semaphore(%arg17 : memref<!tpu.dma_semaphore, #tpu.memory_space<semaphore_mem>>) src(%dma_wait3A_102 : memref<128x64xf32, #tpu.memory_space<vmem>>) dst(%dma_wait3A_98 : memref<128x64xf32, #tpu.memory_space<hbm>>)
    return
  }
}

</mosaic_0001>

<sc_bundles>
// kernel: kernel.3.cloned.1.call-start
scs
__scs_entry_jumppad:
0x0: {  	(pc) =	sbr.rel $0x88, $3  }
0x1: {  	(tag) =	ssettag $0x0;
	lr =	simm.s32 $0x1  }
0x2: {  	[smem:$0x3F9D] =	sst lr;
	_ =	strace $0xD0000000  }
0x3: {  	_ = 	snop  }
0x4: {  	_ = 	snop  }
0x5: {  	_ = 	snop  }
0x6: {  	_ = 	snop  }
0x7: {  	_ = 	snop  }
__scs_overlays_trampoline_lowered:
0x8: {  	[smem:$0x3FAC] =	sst s0  }
0x9: {  	[smem:$0x3FAD] =	sst s1  }
0xa: {  	[smem:$0x3FAE] =	sst s2  }
0xb: {  	[smem:$0x3FAF] =	sst s3  }
0xc: {  	[smem:$0x3FB0] =	sst s4  }
0xd: {  	[smem:$0x3FB1] =	sst s5  }
0xe: {  	[smem:$0x3FB2] =	sst s6  }
0xf: {  	[smem:$0x3FB3] =	sst s7  }
0x10: {  	[smem:$0x3FB4] =	sst s8  }
0x11: {  	[smem:$0x3FB5] =	sst s9;
	s0 =	simm.s32 @!p0 $0x0  }
0x12: {  	s1 =	sld [smem:$0x3F9B];
	s0 =	simm.s32 @p0 $0x1  }
0x13: {  	[smem:$0x3FB6] =	sst s0;
	s0 =	simm.s32 @!p1 $0x0  }
0x14: {  	s2 =	sld [smem:$0x3F9A];
	s0 =	simm.s32 @p1 $0x1  }
0x15: {  	[smem:$0x3FB7] =	sst s0;
	s0 =	simm.s32 @!p2 $0x0  }
0x16: {  	s3 =	sld [smem:$0x3FDB];
	s0 =	simm.s32 @p2 $0x1  }
0x17: {  	s4 =	simm.s32 $0x1BF5;
	[smem:$0x3FB9] =	sst s0  }
0x18: {  	s0 =	sld [smem:$0x3F9C];
	_ =	swait.ge [sflag:s4], $0x0  }
0x19: {  	s7 =	sld [smem:$0x3F9D]  }
0x1a: {  	s8 =	sadd.s32 $0xFFFFE003, lr  }
0x1b: {  	s9 =	sadd.s32 $0xFFFFFEF7, lr;
	s5 =	simm.s32 $0xFFFFFFFF;
	p2 =	slt.u32 s8, $0xFFFFF086  }
0x1c: {  	p1 =	slt.u32 s9, $0xF7A;
	s5 =	simm.s32 @!p2 $0x0  }
0x1d: {  	s5 =	simm.s32 @p1 $0x1;
	p0 =	seq.s32 s7, s2  }
0x1e: {  	s7 =	smul.u32 @!p0 $0xF7A, s2;
	p2 =	seq.s32 @!p0 s5, $0x0  }
0x1f: {  	s9 =	smul.u32 $0xF7A, s1;
	s8 =	simm.s32 @!p0 $0x1BF5;
	p2 =	por !p2, p0  }
0x20: {  	[sflag:s8] =	ssyncset.s32 @!p0 $0xFFFFF086;
	s6 =	sadd.s32 @!p0 s3, s7;
	s7 =	simm.s32 @!p0 $0x108  }
0x21: {  	s3 =	sadd.s32 s3, s9;
	s6 =	sadd.s32 @!p0 $0x88, s6;
	s7 =	simm.s32 @p2 $0x1082  }
0x22: {  	[simem:s7], [sflag:s8] =	dma.local @!p0 [hbm:s6], $0xF7A  }
0x23: {  	s9 =	sor.u32 $0xD0000000, s2;
	s6 =	simm.s32 $0x108;
	_ =	swait.ge @!p0 [sflag:s8], $0x0  }
0x24: {  	s3 =	sadd.s32 $0x88, s3;
	s6 =	simm.s32 @!p1 $0x1082;
	[sflag:s4] =	ssyncset.s32 $0xFFFFF086  }
0x25: {  	[simem:s6], [sflag:s4] =	dma.local [hbm:s3], $0xF7A  }
0x26: {  	[smem:$0x3F9D] =	sst s1;
	(tag) =	ssettag s2;
	_ =	strace s9  }
0x27: {  	s1 =	sld [smem:$0x3FAD]  }
0x28: {  	s2 =	sld [smem:$0x3FAE]  }
0x29: {  	s4 =	sld [smem:$0x3FB0]  }
0x2a: {  	p0 =	seq.s32 s5, $0x0;
	s5 =	sld [smem:$0x3FB1]  }
0x2b: {  	s6 =	sld [smem:$0x3FB2]  }
0x2c: {  	s7 =	sld [smem:$0x3FB3]  }
0x2d: {  	s3 =	simm.s32 $0x108;
	s8 =	sld [smem:$0x3FB4]  }
0x2e: {  	s3 =	simm.s32 @!p0 $0x1082;
	s9 =	sld [smem:$0x3FB5]  }
0x2f: {  	lr =	sadd.s32 s0, s3;
	s0 =	sld [smem:$0x3FAC]  }
0x30: {  	s3 =	sld [smem:$0x3FAF]  }
0x31: {  	[smem:$0x3FB8] =	sst s10  }
0x32: {  	s10 =	sld [smem:$0x3FB6];
	_ =	sdelay $0x3  }
0x33: {  	p0 =	seq.s32 s10, $0x1;
	s10 =	sld [smem:$0x3FB8];
	_ =	sdelay $0x3  }
0x34: {  	[smem:$0x3FB8] =	sst s10  }
0x35: {  	s10 =	sld [smem:$0x3FB7];
	_ =	sdelay $0x3  }
0x36: {  	p1 =	seq.s32 s10, $0x1;
	s10 =	sld [smem:$0x3FB8];
	_ =	sdelay $0x3  }
0x37: {  	[smem:$0x3FB8] =	sst s10  }
0x38: {  	s10 =	sld [smem:$0x3FB9]  }
0x39: {  	_ = 	snop;
	(pc) =	sbr.ind lr, $3  }
0x3a: {  	_ = 	snop  }
0x3b: {  	_ = 	snop  }
0x3c: {  	p2 =	seq.s32 s10, $0x1;
	s10 =	sld [smem:$0x3FB8]  }
0x3d: {  	_ =	shalt  }
0x3e: {  	_ =	shalt  }
0x3f: {  	_ =	shalt  }
0x40: {  	_ =	shalt  }
0x41: {  	_ =	shalt  }
0x42: {  	_ =	shalt  }
0x43: {  	_ =	shalt  }
0x44: {  	_ =	shalt  }
0x45: {  	_ =	shalt  }
0x46: {  	_ =	shalt  }
0x47: {  	_ =	shalt  }
0x48: {  	_ =	shalt  }
0x49: {  	_ =	shalt  }
0x4a: {  	_ =	shalt  }
0x4b: {  	_ =	shalt  }
0x4c: {  	_ =	shalt  }
0x4d: {  	_ =	shalt  }
0x4e: {  	_ =	shalt  }
0x4f: {  	_ =	shalt  }
0x50: {  	_ =	shalt  }
0x51: {  	_ =	shalt  }
0x52: {  	_ =	shalt  }
0x53: {  	_ =	shalt  }
0x54: {  	_ =	shalt  }
0x55: {  	_ =	shalt  }
0x56: {  	_ =	shalt  }
0x57: {  	_ =	shalt  }
0x58: {  	_ =	shalt  }
0x59: {  	_ =	shalt  }
0x5a: {  	_ =	shalt  }
0x5b: {  	_ =	shalt  }
0x5c: {  	_ =	shalt  }
0x5d: {  	_ =	shalt  }
0x5e: {  	_ =	shalt  }
0x5f: {  	_ =	shalt  }
0x60: {  	_ =	shalt  }
0x61: {  	_ =	shalt  }
0x62: {  	_ =	shalt  }
0x63: {  	_ =	shalt  }
0x64: {  	_ =	shalt  }
0x65: {  	_ =	shalt  }
0x66: {  	_ =	shalt  }
0x67: {  	_ =	shalt  }
0x68: {  	_ =	shalt  }
0x69: {  	_ =	shalt  }
0x6a: {  	_ =	shalt  }
0x6b: {  	_ =	shalt  }
0x6c: {  	_ =	shalt  }
0x6d: {  	_ =	shalt  }
0x6e: {  	_ =	shalt  }
0x6f: {  	_ =	shalt  }
0x70: {  	_ =	shalt  }
0x71: {  	_ =	shalt  }
0x72: {  	_ =	shalt  }
0x73: {  	_ =	shalt  }
0x74: {  	_ =	shalt  }
0x75: {  	_ =	shalt  }
0x76: {  	_ =	shalt  }
0x77: {  	_ =	shalt  }
0x78: {  	_ =	shalt  }
0x79: {  	_ =	shalt  }
0x7a: {  	_ =	shalt  }
0x7b: {  	_ =	shalt  }
0x7c: {  	_ =	shalt  }
0x7d: {  	_ =	shalt  }
0x7e: {  	_ =	shalt  }
0x7f: {  	_ =	shalt  }
0x80: {  	_ =	shalt  }
0x81: {  	_ =	shalt  }
0x82: {  	_ =	shalt  }
0x83: {  	_ =	shalt  }
0x84: {  	_ =	shalt  }
0x85: {  	_ =	shalt  }
0x86: {  	_ =	shalt  }
0x87: {  	_ =	shalt  }
.Lfunc_end0:
.L_simem_size_0:
called_computation.1_lowered:
.L_overlay_start_0:
0x88: {  	s2 =	sld [smem:$0x3FD9]  }
0x89: {  	s3 =	sld [smem:$0x3FFE];
	_ =	sdelay $0x1  }
0x8a: {  	s1 =	srdreg.scid  }
0x8b: {  	s0 =	sand.u32 $0x1, s1  }
0x8c: {  	s17 =	sshll.u32 s0, $0xA;
	s2 =	sadd.s32 s3, s2  }
0x8d: {  	s2 =	sadd.s32 s2, s17  }
0x8e: {  	[smem:$0x3FC4] =	sst s2  }
0x8f: {  	_ = 	snop  }
0x90: {  	s2 =	sld [smem:$0x3FD0];
	(tm) =	ssettm $0x1  }
0x91: {  	s18 =	sld [smem:$0x3FFB];
	_ =	sdelay $0x3  }
0x92: {  	_ =	strace s18  }
0x93: {  	s3 =	sld [smem:$0x3FFC];
	_ =	sdelay $0x3  }
0x94: {  	_ =	strace s3  }
0x95: {  	s3 =	sld [smem:$0x3FFD];
	_ =	sdelay $0x3  }
0x96: {  	_ =	strace s3  }
0x97: {  	_ =	strace $0x8FFFFFFF  }
0x98: {  	s19 =	sld [smem:$0x3FDB];
	_ =	sdelay $0x1  }
0x99: {  	s4 =	simm.s32 $_scs_section_size  }
0x9a: {  	s5 =	simm.s32 $_size__tile_overlayer_lowered;
	s6 =	simm.s32 $_tile_overlayer_lowered  }
0x9b: {  	s22 =	simm.s32 $0x1BFF;
	s21 =	sshll.u32 s6, $0x1;
	s3 =	sadd.s32 s4, s19  }
0x9c: {  	s7 =	simm.s32 $0x0;
	s20 =	sshll.u32 s5, $0x1;
	s5 =	sadd.s32 s21, s3  }
0x9d: {  	[timem:s7], [sflag:s22] =	dma.local [hbm:s5], s20  }
0x9e: {  	_ =	swait.ge [sflag:s22], s20  }
0x9f: {  	s4 =	ssub.s32 $0x0, s20;
	[sflag:s22] =	ssyncset.done $0x0  }
0xa0: {  	[sflag:s22] =	ssyncadd.s32 s4;
	_ =	sdelay $0x1  }
0xa1: {  	s23 =	simm.s32 $0x1B8B  }
0xa2: {  	_ =	swait.ge [sflag:s23], $0x1  }
0xa3: {  	[sflag:s23] =	ssyncset.done $0x0  }
0xa4: {  	s25 =	simm.s32 $0x1B8E;
	s24 =	sld [smem:$0x3FFE];
	[sflag:s23] =	ssyncadd.s32 $0xFFFFFFFF  }
0xa5: {  	s26 =	simm.s32 $execute0_lowered;
	[smem:$0x3FD2] =	sst s25  }
0xa6: {  	s5 =	sshll.u32 s26, $0x1;
	_ =	strace $0x80000046;
	[dreg:$0x1] =	wrdreg $0xFFFFFFFF  }
0xa7: {  	s28 =	simm.s32 $_size_execute0_lowered;
	s3 =	sadd.s32 s3, s5;
	[dreg:$0x0] =	wrdreg $0x0  }
0xa8: {  	s5 =	sshll.u32 s28, $0x1;
	[dreg:$0x2] =	wrdreg s3  }
0xa9: {  	[dreg:$0x3] =	wrdreg s5  }
0xaa: {  	[dreg:$0x4] =	wrdreg $0xC0  }
0xab: {  	_ =	task [dreg:s7], $0x5FFFF  }
0xac: {  	[dreg:$0x1] =	wrdreg $0xFFFFFFFF  }
0xad: {  	[dreg:$0x0] =	wrdreg $0x60  }
0xae: {  	[dreg:$0x2] =	wrdreg s24  }
0xaf: {  	[dreg:$0x3] =	wrdreg s2  }
0xb0: {  	[dreg:$0x4] =	wrdreg $0x9  }
0xb1: {  	_ =	task.clear_ibuf [dreg:s7], $0x5FFFF;
	_ =	strace $0x90000046  }
0xb2: {  	s29 =	simm.s32 $0x9;
	_ =	strace $0x80000048  }
0xb3: {  	_ =	swait.ge [sflag:s29], $0x1  }
0xb4: {  	[sflag:s29] =	ssyncadd.s32 $0xFFFFFFFF  }
0xb5: {  	_ =	strace $0x90000048  }
0xb6: {  	_ =	sfence  }
0xb7: {  	s30 =	sld [smem:$0x0];
	_ =	sdelay $0x2  }
0xb8: {  	s31 =	sshll.u32 s1, $0xD;
	s1 =	sshrl.u32 s1, $0x2  }
0xb9: {  	s3 =	sand.u32 $0x4000, s31;
	s1 =	sadd.s32 s1, s30  }
0xba: {  	s0 =	sor.u32 s3, s0;
	s1 =	sshll.u32 s1, $0x11  }
0xbb: {  	s0 =	sor.u32 s1, s0  }
0xbc: {  	s0 =	sadd.s32 $0x8F2B, s0  }
0xbd: {  	[sflag:s0] =	ssyncadd.remote.s32 $0x1  }
0xbe: {  	_ =	sfence.sel $0xFFFF  }
0xbf: {  	[dreg:$0x0] =	wrdreg $0xFFFFFFFF;
	(pc) =	sbr.abs _section_cstart, $3  }
0xc0: {  	[dreg:$0x1] =	wrdreg $0xFFFFFFFF  }
0xc1: {  	_ =	task.clear_ibuf [dreg:s7], $0x2FFFF;
	_ =	strace $0x9FFFFFFF  }
0xc2: {  	(tm) =	ssettm $0x7FFFFFFF  }
0xc3: {  	_ =	shalt  }
tec
execute0_lowered:
.L_overlay_start_1:
0x0: {  	(tag) =	ssettag $0x1  }
0x1: {  	s0 =	rddreg [dreg:$0x0];
	s1 =	srdreg.scid  }
0x2: {  	s2 =	stileid.u32;
	s3 =	simm.s32 $0x0;
	s10 =	simm.s32 $0x6400  }
0x3: {  	s13 =	simm.s32 $0x80;
	s19 =	simm.s32 $0x1;
	s20 =	simm.s32 $0x3  }
0x4: {  	s22 =	simm.s32 $0x2;
	s1 =	sand.u32 $0x1, s1;
	s4 =	sshll.u32 s2, $0x1  }
0x5: {  	[smem:$0x7FF] =	sst s3;
	s4 =	sor.u32 s1, s4;
	s1 =	ssub.s32 $0x2, s1  }
0x6: {  	s6 =	sadd.s32 $0x600, s0;
	s5 =	smul.u32 $0xC80, s4;
	s8 =	sshrl.u32 s1, $0x1  }
.Ltmp0:
0x7: {  	_ =	strace $0x80000047;
	s29 =	ssub.s32 s1, s8;
	(pc) =	sbr.rel .LBB2_1-.Ltmp0, $4  }
0x8: {  	s7 =	sadd.s32 s5, s0;
	s5 =	sadd.s32 $0xF43E00, s0;
	s0 =	smax.u32 s29, $0x1  }
0x9: {  	s4 =	smul.u32 $0xC8, s4;
	s30 =	sadd.s32 $0x1AA00, s7;
	[dreg:$0x5] =	wrdreg s0  }
0xa: {  	v0 =	vlaneseq.u32;
	s23 =	simm.s32 $0x4;
	s31 =	sadd.s32 $0x1A00, s7;
	[dreg:$0x3] =	wrdreg s30  }
0xb: {  	v1 =	vadd.s32 $0xFFFFFF38, v0;
	s2 =	simm.s32 $0x0;
	s9 =	sor.u32 $0x1, s4;
	[dreg:$0x4] =	wrdreg s31  }
.LBB2_10:
0xc: {  	s0 =	simm.s32 $0x5  }
0xd: {  	_ =	swait.ge [sflag:s0], $0x2000  }
0xe: {  	[sflag:s0] =	ssyncset.done $0x0  }
0xf: {  	s1 =	simm.s32 $0x6;
	[sflag:s0] =	ssyncadd.s32 $0xFFFFE000  }
0x10: {  	_ =	swait.ge [sflag:s1], $0x2000  }
0x11: {  	s2 =	rddreg [dreg:$0x6]  }
0x12: {  	s31 =	rddreg [dreg:$0x5];
	s2 =	sadd.s32 $0x1, s2  }
0x13: {  	p0 =	sne.s32 s2, s31  }
.Ltmp1:
0x14: {  	_ = 	snop;
	(pc) =	sbr.rel @!p0 .LBB2_11-.Ltmp1, $3  }
0x15: {  	_ =	sdelay $0x1  }
0x16: {  	[sflag:s1] =	ssyncset.done $0x0  }
0x17: {  	[sflag:s1] =	ssyncadd.s32 $0xFFFFE000  }
.LBB2_1:
0x18: {  	[dreg:$0x6] =	wrdreg s2  }
0x19: {  	s0 =	rddreg [dreg:$0x3];
	s1 =	simm.s32 $0x7;
	s30 =	simm.s32 $0x6440  }
0x1a: {  	s31 =	simm.s32 $0x80;
	s17 =	sand.u32 $0xFFF8, s3;
	s15 =	simm.s32 $0x50  }
0x1b: {  	s7 =	simm.s32 $0x60;
	s18 =	simm.s32 $0x30;
	s14 =	simm.s32 $0x10  }
0x1c: {  	[tilespmem:s3], [sflag:$0x7] =	stream.linear.gather [hbm4b:s0+s3], $0x6400, $0x38;
	[tilespmem:$0x18800] =	vst v63  }
0x1d: {  	s0 =	sshrl.u32 s17, $0x3;
	s17 =	simm.s32 $0x40;
	s12 =	sand.u32 $0xFFF8, s14  }
0x1e: {  	s7 =	sand.u32 $0xFFF8, s7;
	s25 =	sand.u32 $0xFFF8, s15;
	_ =	swait.ge [sflag:s1], $0x6400  }
0x1f: {  	s8 =	smul.u32 $0x147B, s0;
	s0 =	simm.s32 $0x20;
	s7 =	sshrl.u32 s7, $0x3  }
0x20: {  	s25 =	sshrl.u32 s25, $0x3;
	s12 =	sshrl.u32 s12, $0x3;
	s21 =	sand.u32 $0xFFF8, s17  }
0x21: {  	[sflag:s1] =	ssyncset.done $0x0;
	s16 =	rddreg [dreg:$0x4];
	s7 =	smul.u32 $0x147B, s7  }
0x22: {  	s25 =	smul.u32 $0x147B, s25;
	[sflag:s1] =	ssyncadd.s32 $0xFFFF9C00;
	s8 =	sshrl.u32 s8, $0x11  }
0x23: {  	[tilespmem:s10], [sflag:$0x7] =	stream.linear.gather [hbm4b:s16+s3], $0x6400, $0x38;
	[tilespmem:$0x18800] =	vst v63  }
0x24: {  	s16 =	sand.u32 $0xFFF8, s0;
	s10 =	sand.u32 $0xFFF8, s18;
	s7 =	sshrl.u32 s7, $0x11  }
0x25: {  	s8 =	smul.u32 $0xC8, s8;
	s25 =	sshrl.u32 s25, $0x11;
	_ =	swait.ge [sflag:s1], $0x6400  }
0x26: {  	s10 =	sshrl.u32 s10, $0x3;
	s29 =	sshrl.u32 s16, $0x3;
	s7 =	smul.u32 $0xC8, s7  }
0x27: {  	s16 =	sshrl.u32 s21, $0x3;
	[sflag:s1] =	ssyncset.done $0x0;
	s10 =	smul.u32 $0x147B, s10  }
0x28: {  	s8 =	ssub.s32 $0x0, s8;
	[sflag:s1] =	ssyncadd.s32 $0xFFFF9C00;
	s1 =	simm.s32 $0x70  }
0x29: {  	s16 =	smul.u32 $0x147B, s16;
	s11 =	sand.u32 $0xFFF8, s1;
	s10 =	sshrl.u32 s10, $0x11  }
0x2a: {  	s7 =	ssub.s32 $0x60, s7;
	s11 =	sshrl.u32 s11, $0x3;
	s10 =	smul.u32 $0xC8, s10  }
0x2b: {  	s26 =	sand.u32 $0xFFFF, s8;
	v2 =	vld [tilespmem:s30+$0xFFFFFFF0];
	s8 =	sand.u32 $0xFFFF, s7;
	s28 =	smul.u32 $0x147B, s11  }
0x2c: {  	v5 =	vadd.s32 s26, v0;
	v6 =	vld [tilespmem:s30+$0xFFFFFFC0];
	s16 =	sshrl.u32 s16, $0x11;
	v3 =	vadd.s32 s8, v0;
	s11 =	smul.u32 $0x147B, s12;
	s24 =	ssub.s32 $0x30, s10  }
0x2d: {  	v4 =	vld [tilespmem:s30+$0x20];
	vm1 =	vgt.u32 v5, $0xC7;
	vm0 =	vgt.u32 v3, $0xC7;
	s10 =	smul.u32 $0x147B, s29;
	s29 =	simm.s32 $0x6440;
	s7 =	sand.u32 $0xFFFF, s24  }
.LBB2_2:
0x2e: {  	p0 =	sne.s32 s31, $0x6380  }
0x2f: {  	s25 =	smul.u32 $0xC8, s25;
	s30 =	sadd.s32 $0x80, s30;
	s12 =	smov.u32 s31  }
0x30: {  	s11 =	sshrl.u32 s11, $0x11;
	s16 =	smul.u32 $0xC8, s16;
	s28 =	sshrl.u32 s28, $0x11;
	v7 =	vld [tilespmem:s29+$0x30]  }
0x31: {  	v8 =	vadd.s32 s26, v1;
	v9 =	vadd.s32 s7, v1;
	v10 =	vmul.u32 $0xC8, v2;
	s10 =	sshrl.u32 s10, $0x11;
	s15 =	ssub.s32 s15, s25;
	v11 =	vld [tilespmem:s29+$0x10];
	s25 =	smul.u32 $0xC8, s28  }
0x32: {  	v5 =	vsel vm1, v8, v5;
	s11 =	smul.u32 $0xC8, s11;
	v8 =	vadd.s32 s8, v1;
	s16 =	ssub.s32 s17, s16;
	v2 =	vld [tilespmem:s30+$0xFFFFFFF0];
	v6 =	vmul.u32 $0xC8, v6;
	s15 =	sand.u32 $0xFFFF, s15  }
0x33: {  	v12 =	vadd.s32 s7, v0;
	s8 =	smul.u32 $0xC8, s10;
	s10 =	sand.u32 $0xFFFF, s16;
	v13 =	vadd.s32 s15, v0;
	v4 =	vmul.u32 $0xC8, v4;
	s1 =	ssub.s32 s1, s25  }
0x34: {  	s31 =	sadd.s32 $0x80, s31;
	v3 =	vsel vm0, v8, v3;
	s7 =	ssub.s32 s14, s11;
	v15 =	vadd.s32 s10, v0;
	v16 =	vadd.s32 s15, v1;
	v14 =	vld [tilespmem:s29+$0xFFFFFFE0];
	s1 =	sand.u32 $0xFFFF, s1  }
0x35: {  	s17 =	sadd.s32 $0x40, s12;
	s11 =	sand.u32 $0xFFFF, s7;
	s0 =	ssub.s32 s0, s8;
	v8 =	vld [tilespmem:s29+$0xFFFFFFD0];
	v17 =	vadd.s32 s1, v0;
	v18 =	vadd.s32 s1, v1;
	v7 =	vmul.u32 $0xC8, v7  }
0x36: {  	s7 =	sand.u32 $0xFFF8, s12;
	v5 =	vadd.s32 v5, v6;
	s16 =	sand.u32 $0xFFFF, s0;
	vm0 =	vgt.u32 v13, $0xC7;
	s1 =	sadd.s32 $0x70, s12;
	vm1 =	vgt.u32 v17, $0xC7  }
0x37: {  	s15 =	sadd.s32 $0x50, s12;
	s8 =	sadd.s32 $0x60, s12;
	s0 =	sshrl.u32 s7, $0x3;
	v3 =	vadd.s32 v3, v4;
	[tilespmem:s29+$0xFFFFFFC0] =	vst v5;
	v5 =	vsel vm0, v16, v13;
	v4 =	vsel vm1, v18, v17  }
0x38: {  	s14 =	sadd.s32 $0x10, s12;
	s7 =	sadd.s32 $0x30, s12;
	v6 =	vadd.s32 s10, v1;
	s25 =	smul.u32 $0x147B, s0;
	vm0 =	vgt.u32 v15, $0xC7;
	v13 =	vld [tilespmem:s29+$0x0];
	[tilespmem:s29+$0x20] =	vst v3;
	v3 =	vadd.s32 v4, v7  }
0x39: {  	s10 =	sand.u32 $0xFFF8, s14;
	s0 =	sadd.s32 $0x20, s12;
	s26 =	sand.u32 $0xFFF8, s1;
	v11 =	vmul.u32 $0xC8, v11;
	v4 =	vadd.s32 s11, v0;
	v7 =	vadd.s32 s16, v0;
	[tilespmem:s29+$0x30] =	vst v3  }
0x3a: {  	s18 =	sand.u32 $0xFFF8, s8;
	s21 =	sshrl.u32 s10, $0x3;
	s28 =	sand.u32 $0xFFF8, s0;
	vm1 =	vgt.u32 v4, $0xC7;
	vm2 =	vgt.u32 v7, $0xC7;
	v3 =	vmul.u32 $0xC8, v14  }
0x3b: {  	s18 =	sshrl.u32 s18, $0x3;
	s10 =	sshrl.u32 s28, $0x3;
	s28 =	sand.u32 $0xFFF8, s15;
	v16 =	vadd.s32 s16, v1;
	v5 =	vadd.s32 v5, v11;
	v14 =	vadd.s32 s11, v1  }
0x3c: {  	s18 =	smul.u32 $0x147B, s18;
	s16 =	sshrl.u32 s28, $0x3;
	s11 =	sand.u32 $0xFFF8, s7;
	v8 =	vmul.u32 $0xC8, v8;
	v7 =	vsel vm2, v16, v7;
	vm2 =	vgt.u32 v12, $0xC7  }
0x3d: {  	s28 =	sand.u32 $0xFFF8, s17;
	s16 =	smul.u32 $0x147B, s16;
	s11 =	sshrl.u32 s11, $0x3;
	v4 =	vsel vm1, v14, v4;
	v3 =	vadd.s32 v7, v3;
	v7 =	vmul.u32 $0xC8, v13  }
0x3e: {  	s25 =	sshrl.u32 s25, $0x11;
	v6 =	vsel vm0, v6, v15;
	s28 =	sshrl.u32 s28, $0x3;
	s11 =	smul.u32 $0x147B, s11;
	v4 =	vadd.s32 v4, v8;
	[tilespmem:s29+$0xFFFFFFE0] =	vst v3;
	v3 =	vsel vm2, v9, v12  }
0x3f: {  	s24 =	sshrl.u32 s26, $0x3;
	s18 =	sshrl.u32 s18, $0x11;
	s26 =	smul.u32 $0xC8, s25;
	v3 =	vadd.s32 v3, v10;
	v6 =	vadd.s32 v6, v7;
	[tilespmem:s29+$0x10] =	vst v5  }
0x40: {  	s18 =	smul.u32 $0xC8, s18;
	s11 =	sshrl.u32 s11, $0x11;
	[tilespmem:s29+$0x0] =	vst v6  }
0x41: {  	s2 =	smul.u32 $0xC8, s11;
	[tilespmem:s29+$0xFFFFFFF0] =	vst v3  }
.Ltmp2:
0x42: {  	s25 =	sshrl.u32 s16, $0x11;
	s8 =	ssub.s32 s8, s18;
	[tilespmem:s29+$0xFFFFFFD0] =	vst v4;
	(pc) =	sbr.rel @p0 .LBB2_2-.Ltmp2, $4  }
0x43: {  	s11 =	ssub.s32 s12, s26;
	s12 =	smul.u32 $0x147B, s28;
	s29 =	smov.u32 s30  }
0x44: {  	s8 =	sand.u32 $0xFFFF, s8;
	s28 =	smul.u32 $0x147B, s24;
	s26 =	sand.u32 $0xFFFF, s11  }
0x45: {  	s11 =	smul.u32 $0x147B, s21;
	v5 =	vadd.s32 s26, v0;
	s2 =	ssub.s32 s7, s2;
	s16 =	sshrl.u32 s12, $0x11;
	v3 =	vadd.s32 s8, v0;
	v6 =	vld [tilespmem:s30+$0xFFFFFFC0]  }
0x46: {  	s10 =	smul.u32 $0x147B, s10;
	vm1 =	vgt.u32 v5, $0xC7;
	s7 =	sand.u32 $0xFFFF, s2;
	vm0 =	vgt.u32 v3, $0xC7;
	v4 =	vld [tilespmem:s30+$0x20]  }
0x47: {  	s2 =	smul.u32 $0xC8, s25  }
0x48: {  	s12 =	smul.u32 $0xC8, s16;
	s31 =	sshrl.u32 s28, $0x11;
	v8 =	vadd.s32 s26, v1;
	v10 =	vadd.s32 s7, v0  }
0x49: {  	v7 =	vld [tilespmem:s29+$0x30];
	v9 =	vadd.s32 s7, v1;
	v2 =	vmul.u32 $0xC8, v2;
	s16 =	smul.u32 $0xC8, s31;
	vm15 =	vgt.u32 v10, $0xC7  }
0x4a: {  	s11 =	sshrl.u32 s11, $0x11;
	v51 =	vadd.s32 s8, v1;
	v14 =	vld [tilespmem:s29+$0xFFFFFFE0];
	v5 =	vsel vm1, v8, v5;
	s2 =	ssub.s32 s15, s2;
	s12 =	ssub.s32 s17, s12;
	v9 =	vsel vm15, v9, v10  }
0x4b: {  	v56 =	vld [tilespmem:s29+$0xFFFFFFD0];
	v3 =	vsel vm0, v51, v3;
	v6 =	vmul.u32 $0xC8, v6;
	s2 =	sand.u32 $0xFFFF, s2;
	s18 =	sand.u32 $0xFFFF, s12;
	s1 =	ssub.s32 s1, s16;
	v2 =	vadd.s32 v9, v2  }
0x4c: {  	s21 =	sshrl.u32 s10, $0x11;
	s24 =	smul.u32 $0xC8, s11;
	v11 =	vadd.s32 s2, v0;
	v4 =	vmul.u32 $0xC8, v4;
	v12 =	vadd.s32 s18, v0;
	s1 =	sand.u32 $0xFFFF, s1  }
0x4d: {  	v54 =	vld [tilespmem:s29+$0x0];
	s25 =	smul.u32 $0xC8, s21;
	v13 =	vadd.s32 s2, v1;
	v55 =	vadd.s32 s18, v1;
	v52 =	vadd.s32 s1, v0  }
0x4e: {  	v16 =	vld [tilespmem:s29+$0x10];
	v15 =	vadd.s32 s1, v1;
	v7 =	vmul.u32 $0xC8, v7;
	v5 =	vadd.s32 v5, v6  }
0x4f: {  	s26 =	ssub.s32 s14, s24;
	s0 =	ssub.s32 s0, s25;
	vm11 =	vgt.u32 v11, $0xC7;
	vm13 =	vgt.u32 v12, $0xC7;
	v59 =	vmul.u32 $0xC8, v14  }
0x50: {  	s1 =	sand.u32 $0xFFFF, s26;
	s0 =	sand.u32 $0xFFFF, s0;
	v63 =	vmul.u32 $0xC8, v56;
	vm12 =	vgt.u32 v52, $0xC7;
	v53 =	vsel vm11, v13, v11  }
0x51: {  	[tilespmem:s29+$0xFFFFFFF0] =	vst v2;
	v3 =	vadd.s32 v3, v4;
	v57 =	vadd.s32 s1, v0;
	v58 =	vadd.s32 s0, v0  }
0x52: {  	[tilespmem:s29+$0xFFFFFFC0] =	vst v5;
	v60 =	vadd.s32 s0, v1;
	v4 =	vmul.u32 $0xC8, v54;
	v8 =	vsel vm12, v15, v52  }
0x53: {  	v62 =	vsel vm13, v55, v12;
	[tilespmem:s29+$0x20] =	vst v3;
	v3 =	vmul.u32 $0xC8, v16;
	v7 =	vadd.s32 v8, v7  }
0x54: {  	v61 =	vadd.s32 s1, v1;
	vm14 =	vgt.u32 v58, $0xC7;
	v4 =	vadd.s32 v62, v4;
	[tilespmem:s29+$0x30] =	vst v7  }
0x55: {  	vm2 =	vgt.u32 v57, $0xC7;
	v14 =	vsel vm14, v60, v58;
	v3 =	vadd.s32 v53, v3;
	[tilespmem:s29+$0x0] =	vst v4  }
0x56: {  	v5 =	vadd.s32 v14, v59;
	[tilespmem:s29+$0x10] =	vst v3;
	v3 =	vsel vm2, v61, v57  }
0x57: {  	[tilespmem:s29+$0xFFFFFFE0] =	vst v5;
	v3 =	vadd.s32 v3, v63  }
0x58: {  	s28 =	simm.s32 $0xC800;
	[tilespmem:s29+$0xFFFFFFD0] =	vst v3;
	s29 =	simm.s32 $0x0  }
0x59: {  	[tilespmem:s28], [sflag:$0x1] =	stream.indirect.gather [hbm4b:s5+s13], $0x40, s29, s13, $0xb8;
	[tilespmem:$0x18800] =	vst v63  }
0x5a: {  	s30 =	simm.s32 $0x10800;
	s10 =	simm.s32 $0x6400  }
0x5b: {  	[tilespmem:s30], [sflag:$0x3] =	stream.indirect.gather [hbm4b:s6+s13], $0x40, s10, s13, $0xb8;
	[tilespmem:$0x18800] =	vst v63  }
0x5c: {  	s8 =	rddreg [dreg:$0x1];
	s11 =	simm.s32 $0xE800;
	s31 =	simm.s32 $0x6480  }
0x5d: {  	[tilespmem:s11], [sflag:$0x2] =	stream.indirect.gather [hbm4b:s5+s13], $0x40, s13, s13, $0xb8;
	[tilespmem:$0x18800] =	vst v63  }
0x5e: {  	s15 =	simm.s32 $0x12800;
	s17 =	simm.s32 $0x16800;
	s16 =	simm.s32 $0x14800  }
0x5f: {  	[tilespmem:s15], [sflag:$0x4] =	stream.indirect.gather [hbm4b:s6+s13], $0x40, s31, s13, $0xb8;
	[tilespmem:$0x18800] =	vst v63  }
.LBB2_4:
0x60: {  	_ =	swait.ge [sflag:s19], $0x2000  }
0x61: {  	[sflag:s19] =	ssyncset.done $0x0  }
0x62: {  	[sflag:s19] =	ssyncadd.s32 $0xFFFFE000  }
0x63: {  	_ =	swait.ge [sflag:s20], $0x2000  }
0x64: {  	p0 =	seq.s32 s29, $0x0;
	[sflag:s20] =	ssyncset.done $0x0  }
0x65: {  	s0 =	simm.s32 @!p0 $0x5;
	[sflag:s20] =	ssyncadd.s32 $0xFFFFE000  }
0x66: {  	_ =	swait.ge @!p0 [sflag:s0], $0x2000  }
0x67: {  	[sflag:s0] =	ssyncset.done @!p0 $0x0  }
0x68: {  	[sflag:s0] =	ssyncadd.s32 @!p0 $0xFFFFE000;
	s0 =	simm.s32 $0x0  }
0x69: {  	v2 =	vld [tilespmem:s0+$0xC8F0]  }
0x6a: {  	v3 =	vld [tilespmem:s0+$0x108F0]  }
0x6b: {  	v4 =	vld [tilespmem:s0+$0xC800]  }
0x6c: {  	v5 =	vld [tilespmem:s0+$0x10800]  }
0x6d: {  	v6 =	vld [tilespmem:s0+$0xC810]  }
0x6e: {  	v7 =	vld [tilespmem:s0+$0x10810]  }
0x6f: {  	v8 =	vld [tilespmem:s0+$0xC820]  }
0x70: {  	v9 =	vld [tilespmem:s0+$0xC830];
	v2 =	vadd.f32 v3, v2  }
0x71: {  	v3 =	vld [tilespmem:s0+$0x10820]  }
0x72: {  	v4 =	vadd.f32 v5, v4;
	[tilespmem:s0+$0x148F0] =	vst v2;
	v2 =	vld [tilespmem:s0+$0x10830]  }
0x73: {  	v5 =	vld [tilespmem:s0+$0xC840]  }
0x74: {  	[tilespmem:s0+$0x14800] =	vst v4;
	v4 =	vadd.f32 v7, v6;
	v6 =	vld [tilespmem:s0+$0x10840]  }
0x75: {  	v7 =	vld [tilespmem:s0+$0x10850]  }
0x76: {  	[tilespmem:s0+$0x14810] =	vst v4;
	v4 =	vld [tilespmem:s0+$0xC850];
	v3 =	vadd.f32 v3, v8  }
0x77: {  	v8 =	vld [tilespmem:s0+$0x10860];
	v2 =	vadd.f32 v2, v9  }
0x78: {  	[tilespmem:s0+$0x14820] =	vst v3;
	v3 =	vld [tilespmem:s0+$0xC860]  }
0x79: {  	[tilespmem:s0+$0x14830] =	vst v2;
	v2 =	vadd.f32 v6, v5;
	v5 =	vld [tilespmem:s0+$0xC870]  }
0x7a: {  	v6 =	vld [tilespmem:s0+$0x10870]  }
0x7b: {  	[tilespmem:s0+$0x14840] =	vst v2;
	v2 =	vadd.f32 v7, v4;
	v4 =	vld [tilespmem:s0+$0xC880]  }
0x7c: {  	v7 =	vld [tilespmem:s0+$0x10880]  }
0x7d: {  	[tilespmem:s0+$0x14850] =	vst v2;
	v2 =	vadd.f32 v8, v3;
	v3 =	vld [tilespmem:s0+$0xC890]  }
0x7e: {  	v8 =	vld [tilespmem:s0+$0x10890]  }
0x7f: {  	[tilespmem:s0+$0x14860] =	vst v2;
	v2 =	vadd.f32 v6, v5;
	v5 =	vld [tilespmem:s0+$0xC8A0]  }
0x80: {  	v6 =	vld [tilespmem:s0+$0x108A0]  }
0x81: {  	[tilespmem:s0+$0x14870] =	vst v2;
	v2 =	vadd.f32 v7, v4;
	v4 =	vld [tilespmem:s0+$0xC8B0]  }
0x82: {  	v7 =	vld [tilespmem:s0+$0x108B0]  }
0x83: {  	v63 =	vld [tilespmem:s0+$0x108C0]  }
0x84: {  	[tilespmem:s0+$0x14880] =	vst v2;
	v2 =	vadd.f32 v8, v3;
	v8 =	vld [tilespmem:s0+$0xC8C0]  }
0x85: {  	v3 =	vld [tilespmem:s0+$0xC8D0]  }
0x86: {  	[tilespmem:s0+$0x14890] =	vst v2;
	v2 =	vadd.f32 v6, v5;
	v5 =	vld [tilespmem:s0+$0x108D0]  }
0x87: {  	v6 =	vld [tilespmem:s0+$0x108E0];
	v7 =	vadd.f32 v7, v4  }
0x88: {  	s12 =	simm.s32 $0x100;
	s30 =	sshll.u32 s29, $0x1;
	[tilespmem:s0+$0x148A0] =	vst v2;
	v2 =	vld [tilespmem:s0+$0xC8E0]  }
0x89: {  	s14 =	simm.s32 $0x800;
	s1 =	sadd.s32 s4, s30;
	v4 =	vld [tilespmem:s12+$0xC8F0];
	[tilespmem:s0+$0x148B0] =	vst v7;
	v7 =	vadd.f32 v63, v8  }
.LBB2_5:
0x8a: {  	p1 =	sne.s32 s14, $0x7C00;
	v8 =	vld [tilespmem:s12+$0x108F0]  }
0x8b: {  	v9 =	vld [tilespmem:s12+$0xC800];
	[tilespmem:s0+$0x148C0] =	vst v7;
	v3 =	vadd.f32 v5, v3  }
0x8c: {  	v5 =	vld [tilespmem:s12+$0x10800]  }
0x8d: {  	v7 =	vld [tilespmem:s12+$0xC810];
	[tilespmem:s0+$0x148D0] =	vst v3;
	v2 =	vadd.f32 v6, v2  }
0x8e: {  	v3 =	vld [tilespmem:s12+$0x10810]  }
0x8f: {  	v6 =	vld [tilespmem:s12+$0xC820];
	v4 =	vadd.f32 v8, v4;
	[tilespmem:s0+$0x148E0] =	vst v2;
	s0 =	smov.u32 s12  }
0x90: {  	v2 =	vld [tilespmem:s0+$0x10820]  }
0x91: {  	v5 =	vadd.f32 v5, v9;
	v8 =	vld [tilespmem:s0+$0xC830];
	[tilespmem:s0+$0x148F0] =	vst v4  }
0x92: {  	v4 =	vld [tilespmem:s0+$0x10830]  }
0x93: {  	[tilespmem:s0+$0x14800] =	vst v5;
	v3 =	vadd.f32 v3, v7;
	v5 =	vld [tilespmem:s0+$0xC840]  }
0x94: {  	v7 =	vld [tilespmem:s0+$0x10840]  }
0x95: {  	[tilespmem:s0+$0x14810] =	vst v3;
	v2 =	vadd.f32 v2, v6;
	v3 =	vld [tilespmem:s0+$0xC850]  }
0x96: {  	v6 =	vld [tilespmem:s0+$0x10850]  }
0x97: {  	[tilespmem:s0+$0x14820] =	vst v2;
	v2 =	vadd.f32 v4, v8;
	v4 =	vld [tilespmem:s0+$0xC860]  }
0x98: {  	v8 =	vld [tilespmem:s0+$0x10860]  }
0x99: {  	[tilespmem:s0+$0x14830] =	vst v2;
	v2 =	vadd.f32 v7, v5;
	v5 =	vld [tilespmem:s0+$0xC870]  }
0x9a: {  	v7 =	vld [tilespmem:s0+$0x10870]  }
0x9b: {  	[tilespmem:s0+$0x14840] =	vst v2;
	v2 =	vadd.f32 v6, v3;
	v3 =	vld [tilespmem:s0+$0xC880]  }
0x9c: {  	v6 =	vld [tilespmem:s0+$0x10880]  }
0x9d: {  	[tilespmem:s0+$0x14850] =	vst v2;
	v2 =	vadd.f32 v8, v4;
	v4 =	vld [tilespmem:s0+$0xC890]  }
0x9e: {  	v8 =	vld [tilespmem:s0+$0x10890]  }
0x9f: {  	[tilespmem:s0+$0x14860] =	vst v2;
	v2 =	vadd.f32 v7, v5;
	v5 =	vld [tilespmem:s0+$0xC8A0]  }
0xa0: {  	v7 =	vld [tilespmem:s0+$0x108A0]  }
0xa1: {  	[tilespmem:s0+$0x14870] =	vst v2;
	v2 =	vadd.f32 v6, v3;
	v6 =	vld [tilespmem:s0+$0xC8B0]  }
0xa2: {  	v9 =	vld [tilespmem:s0+$0x108B0]  }
0xa3: {  	[tilespmem:s0+$0x14880] =	vst v2;
	v2 =	vadd.f32 v8, v4;
	v8 =	vld [tilespmem:s0+$0xC8C0]  }
0xa4: {  	v10 =	vld [tilespmem:s0+$0x108C0]  }
.Ltmp3:
0xa5: {  	[tilespmem:s0+$0x14890] =	vst v2;
	v2 =	vadd.f32 v7, v5;
	v3 =	vld [tilespmem:s0+$0xC8D0];
	(pc) =	sbr.rel @p1 .LBB2_5-.Ltmp3, $4  }
0xa6: {  	v5 =	vld [tilespmem:s0+$0x108D0]  }
0xa7: {  	[tilespmem:s0+$0x148A0] =	vst v2;
	v7 =	vadd.f32 v9, v6;
	v2 =	vld [tilespmem:s0+$0xC8E0]  }
0xa8: {  	s12 =	sshra.s32 s14, $0x2;
	v6 =	vld [tilespmem:s0+$0x108E0]  }
0xa9: {  	s14 =	sadd.s32 $0x400, s14;
	v4 =	vld [tilespmem:s12+$0xC8F0];
	[tilespmem:s0+$0x148B0] =	vst v7;
	v7 =	vadd.f32 v10, v8  }
0xaa: {  	v8 =	vld [tilespmem:s12+$0x108F0]  }
0xab: {  	v9 =	vld [tilespmem:s12+$0xC800];
	[tilespmem:s0+$0x148C0] =	vst v7;
	v3 =	vadd.f32 v5, v3  }
0xac: {  	v5 =	vld [tilespmem:s12+$0x10800]  }
0xad: {  	v7 =	vld [tilespmem:s12+$0xC810];
	[tilespmem:s0+$0x148D0] =	vst v3;
	v2 =	vadd.f32 v6, v2  }
0xae: {  	v3 =	vld [tilespmem:s12+$0x10810]  }
0xaf: {  	v6 =	vld [tilespmem:s12+$0xC820];
	[tilespmem:s0+$0x148E0] =	vst v2  }
0xb0: {  	v2 =	vadd.f32 v8, v4;
	v4 =	vld [tilespmem:s12+$0x10820]  }
0xb1: {  	v8 =	vld [tilespmem:s12+$0xC830]  }
0xb2: {  	v61 =	vld [tilespmem:s12+$0x108E0];
	v5 =	vadd.f32 v5, v9  }
0xb3: {  	[tilespmem:s12+$0x148F0] =	vst v2;
	v2 =	vld [tilespmem:s12+$0x10830]  }
0xb4: {  	[tilespmem:s12+$0x14800] =	vst v5;
	v3 =	vadd.f32 v3, v7;
	v5 =	vld [tilespmem:s12+$0xC840]  }
0xb5: {  	v7 =	vld [tilespmem:s12+$0x10840]  }
0xb6: {  	[tilespmem:s12+$0x14810] =	vst v3;
	v3 =	vadd.f32 v4, v6;
	v4 =	vld [tilespmem:s12+$0xC850]  }
0xb7: {  	v6 =	vld [tilespmem:s12+$0x10850]  }
0xb8: {  	v2 =	vadd.f32 v2, v8;
	v8 =	vld [tilespmem:s12+$0x10860]  }
0xb9: {  	[tilespmem:s12+$0x14820] =	vst v3;
	v3 =	vld [tilespmem:s12+$0xC860]  }
0xba: {  	[tilespmem:s12+$0x14830] =	vst v2;
	v2 =	vadd.f32 v7, v5;
	v5 =	vld [tilespmem:s12+$0xC870]  }
0xbb: {  	v7 =	vld [tilespmem:s12+$0x10870]  }
0xbc: {  	[tilespmem:s12+$0x14840] =	vst v2;
	v2 =	vadd.f32 v6, v4;
	v4 =	vld [tilespmem:s12+$0xC880]  }
0xbd: {  	v6 =	vld [tilespmem:s12+$0x10880]  }
0xbe: {  	[tilespmem:s12+$0x14850] =	vst v2;
	v2 =	vadd.f32 v8, v3;
	v3 =	vld [tilespmem:s12+$0xC890]  }
0xbf: {  	v8 =	vld [tilespmem:s12+$0x10890]  }
0xc0: {  	[tilespmem:s12+$0x14860] =	vst v2;
	v2 =	vadd.f32 v7, v5;
	v5 =	vld [tilespmem:s12+$0xC8A0]  }
0xc1: {  	v7 =	vld [tilespmem:s12+$0x108A0]  }
0xc2: {  	[tilespmem:s12+$0x14870] =	vst v2;
	v2 =	vadd.f32 v6, v4;
	v4 =	vld [tilespmem:s12+$0xC8B0]  }
0xc3: {  	v6 =	vld [tilespmem:s12+$0x108B0]  }
0xc4: {  	[tilespmem:s12+$0x14880] =	vst v2;
	v2 =	vadd.f32 v8, v3;
	v3 =	vld [tilespmem:s12+$0xC8C0]  }
0xc5: {  	v8 =	vld [tilespmem:s12+$0x108C0]  }
0xc6: {  	[tilespmem:s12+$0x14890] =	vst v2;
	v2 =	vadd.f32 v7, v5;
	v5 =	vld [tilespmem:s12+$0xC8D0]  }
0xc7: {  	v7 =	vld [tilespmem:s12+$0x108D0]  }
0xc8: {  	[tilespmem:s12+$0x148A0] =	vst v2;
	v2 =	vld [tilespmem:s12+$0xC8E0];
	_ =	sdelay $0x1  }
0xc9: {  	v4 =	vadd.f32 v6, v4  }
0xca: {  	v3 =	vadd.f32 v8, v3  }
0xcb: {  	[tilespmem:s12+$0x148B0] =	vst v4;
	v4 =	vadd.f32 v7, v5  }
0xcc: {  	[tilespmem:s12+$0x148C0] =	vst v3;
	v2 =	vadd.f32 v61, v2  }
0xcd: {  	s31 =	sshll.u32 s1, $0xA;
	[tilespmem:s12+$0x148D0] =	vst v4  }
0xce: {  	p1 =	seq.s32 s29, $0x63;
	s0 =	sadd.s32 s8, s31;
	[tilespmem:s12+$0x148E0] =	vst v2  }
0xcf: {  	[hbm4b:s0+s3] =	stream.linear.scatter [tilespmem:s16], [sflag:$0x5], $0x2000, $0x38;
	[tilespmem:$0x18800] =	vst v63  }
0xd0: {  	s0 =	sshll.u32 @!p1 s29, $0x8  }
0xd1: {  	s2 =	simm.s32 @!p1 $0x80;
	s7 =	simm.s32 @!p1 $0xC800;
	s1 =	sadd.s32 @!p1 $0x100, s0  }
0xd2: {  	[tilespmem:s7], [sflag:$0x1] =	stream.indirect.gather @!p1 [hbm4b:s5+s2], $0x40, s1, s2, $0xb8;
	[tilespmem:$0x18800] =	vst v63  }
0xd3: {  	s0 =	sadd.s32 @!p1 $0x6500, s0;
	s1 =	simm.s32 @!p1 $0x10800  }
0xd4: {  	[tilespmem:s1], [sflag:$0x3] =	stream.indirect.gather @!p1 [hbm4b:s6+s2], $0x40, s0, s2, $0xb8;
	[tilespmem:$0x18800] =	vst v63  }
0xd5: {  	_ =	swait.ge [sflag:s22], $0x2000  }
0xd6: {  	[sflag:s22] =	ssyncset.done $0x0  }
0xd7: {  	[sflag:s22] =	ssyncadd.s32 $0xFFFFE000  }
0xd8: {  	_ =	swait.ge [sflag:s23], $0x2000  }
0xd9: {  	[sflag:s23] =	ssyncset.done $0x0  }
0xda: {  	s0 =	simm.s32 @!p0 $0x6;
	[sflag:s23] =	ssyncadd.s32 $0xFFFFE000  }
0xdb: {  	_ =	swait.ge @!p0 [sflag:s0], $0x2000  }
0xdc: {  	[sflag:s0] =	ssyncset.done @!p0 $0x0  }
0xdd: {  	[sflag:s0] =	ssyncadd.s32 @!p0 $0xFFFFE000;
	s0 =	simm.s32 $0x0  }
0xde: {  	v2 =	vld [tilespmem:s0+$0xE8F0]  }
0xdf: {  	v3 =	vld [tilespmem:s0+$0x128F0]  }
0xe0: {  	v4 =	vld [tilespmem:s0+$0xE800]  }
0xe1: {  	v5 =	vld [tilespmem:s0+$0x12800]  }
0xe2: {  	v6 =	vld [tilespmem:s0+$0xE810]  }
0xe3: {  	v7 =	vld [tilespmem:s0+$0x12810]  }
0xe4: {  	v8 =	vld [tilespmem:s0+$0xE820]  }
0xe5: {  	v62 =	vld [tilespmem:s0+$0xE830]  }
0xe6: {  	v63 =	vld [tilespmem:s0+$0x128B0];
	v2 =	vadd.f32 v3, v2  }
0xe7: {  	v3 =	vld [tilespmem:s0+$0x12820]  }
0xe8: {  	v4 =	vadd.f32 v5, v4;
	[tilespmem:s0+$0x168F0] =	vst v2;
	v2 =	vld [tilespmem:s0+$0x12830]  }
0xe9: {  	v5 =	vld [tilespmem:s0+$0xE840]  }
0xea: {  	[tilespmem:s0+$0x16800] =	vst v4;
	v4 =	vadd.f32 v7, v6;
	v6 =	vld [tilespmem:s0+$0x12840]  }
0xeb: {  	v7 =	vld [tilespmem:s0+$0x12850]  }
0xec: {  	[tilespmem:s0+$0x16810] =	vst v4;
	v4 =	vld [tilespmem:s0+$0xE850];
	v3 =	vadd.f32 v3, v8  }
0xed: {  	v8 =	vld [tilespmem:s0+$0x12860];
	v2 =	vadd.f32 v2, v62  }
0xee: {  	[tilespmem:s0+$0x16820] =	vst v3;
	v3 =	vld [tilespmem:s0+$0xE860]  }
0xef: {  	[tilespmem:s0+$0x16830] =	vst v2;
	v2 =	vadd.f32 v6, v5;
	v5 =	vld [tilespmem:s0+$0xE870]  }
0xf0: {  	v6 =	vld [tilespmem:s0+$0x12870]  }
0xf1: {  	[tilespmem:s0+$0x16840] =	vst v2;
	v2 =	vadd.f32 v7, v4;
	v4 =	vld [tilespmem:s0+$0xE880]  }
0xf2: {  	v7 =	vld [tilespmem:s0+$0x12880]  }
0xf3: {  	[tilespmem:s0+$0x16850] =	vst v2;
	v2 =	vadd.f32 v8, v3;
	v3 =	vld [tilespmem:s0+$0xE890]  }
0xf4: {  	v8 =	vld [tilespmem:s0+$0x12890]  }
0xf5: {  	[tilespmem:s0+$0x16860] =	vst v2;
	v2 =	vadd.f32 v6, v5;
	v5 =	vld [tilespmem:s0+$0xE8A0]  }
0xf6: {  	v6 =	vld [tilespmem:s0+$0x128A0]  }
0xf7: {  	[tilespmem:s0+$0x16870] =	vst v2;
	v2 =	vadd.f32 v7, v4;
	v7 =	vld [tilespmem:s0+$0xE8B0]  }
0xf8: {  	v10 =	vld [tilespmem:s0+$0x128C0]  }
0xf9: {  	[tilespmem:s0+$0x16880] =	vst v2;
	v2 =	vadd.f32 v8, v3;
	v8 =	vld [tilespmem:s0+$0xE8C0]  }
0xfa: {  	v4 =	vld [tilespmem:s0+$0xE8D0]  }
0xfb: {  	[tilespmem:s0+$0x16890] =	vst v2;
	v2 =	vadd.f32 v6, v5;
	v5 =	vld [tilespmem:s0+$0x128D0]  }
0xfc: {  	v6 =	vld [tilespmem:s0+$0x128E0];
	v7 =	vadd.f32 v63, v7  }
0xfd: {  	s12 =	simm.s32 $0x100;
	[tilespmem:s0+$0x168A0] =	vst v2;
	v2 =	vld [tilespmem:s0+$0xE8E0]  }
0xfe: {  	s14 =	simm.s32 $0x800;
	s1 =	sadd.s32 s30, s9;
	v3 =	vld [tilespmem:s12+$0xE8F0];
	[tilespmem:s0+$0x168B0] =	vst v7;
	v7 =	vadd.f32 v10, v8  }
.LBB2_7:
0xff: {  	p0 =	sne.s32 s14, $0x7C00;
	v8 =	vld [tilespmem:s12+$0x128F0]  }
0x100: {  	v9 =	vld [tilespmem:s12+$0xE800];
	[tilespmem:s0+$0x168C0] =	vst v7;
	v4 =	vadd.f32 v5, v4  }
0x101: {  	v5 =	vld [tilespmem:s12+$0x12800]  }
0x102: {  	v7 =	vld [tilespmem:s12+$0xE810];
	[tilespmem:s0+$0x168D0] =	vst v4;
	v2 =	vadd.f32 v6, v2  }
0x103: {  	v4 =	vld [tilespmem:s12+$0x12810]  }
0x104: {  	v6 =	vld [tilespmem:s12+$0xE820];
	v3 =	vadd.f32 v8, v3;
	[tilespmem:s0+$0x168E0] =	vst v2;
	s0 =	smov.u32 s12  }
0x105: {  	v2 =	vld [tilespmem:s0+$0x12820]  }
0x106: {  	v5 =	vadd.f32 v5, v9;
	v8 =	vld [tilespmem:s0+$0xE830];
	[tilespmem:s0+$0x168F0] =	vst v3  }
0x107: {  	v3 =	vld [tilespmem:s0+$0x12830]  }
0x108: {  	[tilespmem:s0+$0x16800] =	vst v5;
	v4 =	vadd.f32 v4, v7;
	v5 =	vld [tilespmem:s0+$0xE840]  }
0x109: {  	v7 =	vld [tilespmem:s0+$0x12840]  }
0x10a: {  	[tilespmem:s0+$0x16810] =	vst v4;
	v2 =	vadd.f32 v2, v6;
	v4 =	vld [tilespmem:s0+$0xE850]  }
0x10b: {  	v6 =	vld [tilespmem:s0+$0x12850]  }
0x10c: {  	[tilespmem:s0+$0x16820] =	vst v2;
	v2 =	vadd.f32 v3, v8;
	v3 =	vld [tilespmem:s0+$0xE860]  }
0x10d: {  	v8 =	vld [tilespmem:s0+$0x12860]  }
0x10e: {  	[tilespmem:s0+$0x16830] =	vst v2;
	v2 =	vadd.f32 v7, v5;
	v5 =	vld [tilespmem:s0+$0xE870]  }
0x10f: {  	v7 =	vld [tilespmem:s0+$0x12870]  }
0x110: {  	[tilespmem:s0+$0x16840] =	vst v2;
	v2 =	vadd.f32 v6, v4;
	v4 =	vld [tilespmem:s0+$0xE880]  }
0x111: {  	v6 =	vld [tilespmem:s0+$0x12880]  }
0x112: {  	[tilespmem:s0+$0x16850] =	vst v2;
	v2 =	vadd.f32 v8, v3;
	v3 =	vld [tilespmem:s0+$0xE890]  }
0x113: {  	v8 =	vld [tilespmem:s0+$0x12890]  }
0x114: {  	[tilespmem:s0+$0x16860] =	vst v2;
	v2 =	vadd.f32 v7, v5;
	v5 =	vld [tilespmem:s0+$0xE8A0]  }
0x115: {  	v7 =	vld [tilespmem:s0+$0x128A0]  }
0x116: {  	[tilespmem:s0+$0x16870] =	vst v2;
	v2 =	vadd.f32 v6, v4;
	v6 =	vld [tilespmem:s0+$0xE8B0]  }
0x117: {  	v9 =	vld [tilespmem:s0+$0x128B0]  }
0x118: {  	[tilespmem:s0+$0x16880] =	vst v2;
	v2 =	vadd.f32 v8, v3;
	v8 =	vld [tilespmem:s0+$0xE8C0]  }
0x119: {  	v10 =	vld [tilespmem:s0+$0x128C0]  }
.Ltmp4:
0x11a: {  	[tilespmem:s0+$0x16890] =	vst v2;
	v2 =	vadd.f32 v7, v5;
	v4 =	vld [tilespmem:s0+$0xE8D0];
	(pc) =	sbr.rel @p0 .LBB2_7-.Ltmp4, $4  }
0x11b: {  	v5 =	vld [tilespmem:s0+$0x128D0]  }
0x11c: {  	[tilespmem:s0+$0x168A0] =	vst v2;
	v7 =	vadd.f32 v9, v6;
	v2 =	vld [tilespmem:s0+$0xE8E0]  }
0x11d: {  	s12 =	sshra.s32 s14, $0x2;
	v6 =	vld [tilespmem:s0+$0x128E0]  }
0x11e: {  	s14 =	sadd.s32 $0x400, s14;
	v3 =	vld [tilespmem:s12+$0xE8F0];
	[tilespmem:s0+$0x168B0] =	vst v7;
	v7 =	vadd.f32 v10, v8  }
0x11f: {  	v8 =	vld [tilespmem:s12+$0x128F0]  }
0x120: {  	v9 =	vld [tilespmem:s12+$0xE800];
	[tilespmem:s0+$0x168C0] =	vst v7;
	v4 =	vadd.f32 v5, v4  }
0x121: {  	v42 =	vld [tilespmem:s12+$0x12800]  }
0x122: {  	v7 =	vld [tilespmem:s12+$0xE810];
	[tilespmem:s0+$0x168D0] =	vst v4;
	v2 =	vadd.f32 v6, v2  }
0x123: {  	v4 =	vld [tilespmem:s12+$0x12810]  }
0x124: {  	v43 =	vld [tilespmem:s12+$0xE820];
	[tilespmem:s0+$0x168E0] =	vst v2  }
0x125: {  	v2 =	vadd.f32 v8, v3;
	v3 =	vld [tilespmem:s12+$0x12820]  }
0x126: {  	v44 =	vld [tilespmem:s12+$0xE830]  }
0x127: {  	v45 =	vld [tilespmem:s12+$0xE840]  }
0x128: {  	[tilespmem:s12+$0x168F0] =	vst v2;
	v2 =	vld [tilespmem:s12+$0x12830]  }
0x129: {  	v46 =	vld [tilespmem:s12+$0x12840]  }
0x12a: {  	v47 =	vld [tilespmem:s12+$0xE850]  }
0x12b: {  	v48 =	vld [tilespmem:s12+$0x12850]  }
0x12c: {  	v49 =	vld [tilespmem:s12+$0x12860];
	v3 =	vadd.f32 v3, v43  }
0x12d: {  	v50 =	vld [tilespmem:s12+$0xE870];
	v2 =	vadd.f32 v2, v44  }
0x12e: {  	[tilespmem:s12+$0x16820] =	vst v3;
	v3 =	vld [tilespmem:s12+$0xE860]  }
0x12f: {  	v51 =	vld [tilespmem:s12+$0x12870];
	[tilespmem:s12+$0x16830] =	vst v2;
	v2 =	vadd.f32 v46, v45  }
0x130: {  	v52 =	vld [tilespmem:s12+$0xE880]  }
0x131: {  	v53 =	vld [tilespmem:s12+$0x12880];
	[tilespmem:s12+$0x16840] =	vst v2;
	v2 =	vadd.f32 v48, v47  }
0x132: {  	v54 =	vld [tilespmem:s12+$0x12890]  }
0x133: {  	v55 =	vld [tilespmem:s12+$0xE8A0];
	[tilespmem:s12+$0x16850] =	vst v2;
	v2 =	vadd.f32 v49, v3  }
0x134: {  	v3 =	vld [tilespmem:s12+$0xE890]  }
0x135: {  	v56 =	vld [tilespmem:s12+$0x128A0];
	[tilespmem:s12+$0x16860] =	vst v2;
	v2 =	vadd.f32 v51, v50  }
0x136: {  	v57 =	vld [tilespmem:s12+$0xE8B0]  }
0x137: {  	v58 =	vld [tilespmem:s12+$0x128B0];
	[tilespmem:s12+$0x16870] =	vst v2;
	v2 =	vadd.f32 v53, v52  }
0x138: {  	v59 =	vld [tilespmem:s12+$0x128C0]  }
0x139: {  	v60 =	vld [tilespmem:s12+$0xE8D0];
	[tilespmem:s12+$0x16880] =	vst v2;
	v2 =	vadd.f32 v54, v3  }
0x13a: {  	v61 =	vld [tilespmem:s12+$0x128D0]  }
0x13b: {  	v62 =	vld [tilespmem:s12+$0x128E0];
	[tilespmem:s12+$0x16890] =	vst v2;
	v2 =	vadd.f32 v56, v55  }
0x13c: {  	v3 =	vld [tilespmem:s12+$0xE8C0]  }
0x13d: {  	v4 =	vadd.f32 v4, v7;
	[tilespmem:s12+$0x168A0] =	vst v2;
	v2 =	vld [tilespmem:s12+$0xE8E0]  }
0x13e: {  	v5 =	vadd.f32 v42, v9  }
0x13f: {  	[tilespmem:s12+$0x16810] =	vst v4;
	v4 =	vadd.f32 v58, v57  }
0x140: {  	[tilespmem:s12+$0x16800] =	vst v5;
	v63 =	vadd.f32 v61, v60  }
.Ltmp5:
0x141: {  	[tilespmem:s12+$0x168B0] =	vst v4;
	v3 =	vadd.f32 v59, v3;
	(pc) =	sbr.rel @p1 .LBB2_10-.Ltmp5, $4  }
0x142: {  	s31 =	sshll.u32 s1, $0xA;
	[tilespmem:s12+$0x168D0] =	vst v63;
	v2 =	vadd.f32 v62, v2  }
0x143: {  	s0 =	sand.u32 $0x1FFFFC00, s31;
	[tilespmem:s12+$0x168C0] =	vst v3  }
0x144: {  	s0 =	sadd.s32 s8, s0;
	[tilespmem:s12+$0x168E0] =	vst v2  }
0x145: {  	[hbm4b:s0+s3] =	stream.linear.scatter [tilespmem:s17], [sflag:$0x6], $0x2000, $0x38;
	[tilespmem:$0x18800] =	vst v63  }
.Ltmp6:
0x146: {  	s0 =	sshll.u32 s29, $0x8;
	(pc) =	sbr.rel .LBB2_4-.Ltmp6, $4  }
0x147: {  	s1 =	sadd.s32 $0x180, s0  }
0x148: {  	[tilespmem:s11], [sflag:$0x2] =	stream.indirect.gather [hbm4b:s5+s13], $0x40, s1, s13, $0xb8;
	[tilespmem:$0x18800] =	vst v63  }
0x149: {  	s29 =	sadd.s32 $0x1, s29;
	s0 =	sadd.s32 $0x6580, s0  }
0x14a: {  	[tilespmem:s15], [sflag:$0x4] =	stream.indirect.gather [hbm4b:s6+s13], $0x40, s0, s13, $0xb8;
	[tilespmem:$0x18800] =	vst v63  }
.LBB2_11:
0x14b: {  	_ =	sfence.sel $0x180000  }
0x14c: {  	[bflag:$0x0] =	sbarrier.arrive $0xFFFF  }
0x14d: {  	_ =	strace $0x90000047  }
0x14e: {  	s0 =	stileid.u32;
	[bflag:$0x2] =	sbarrier.arrive $0xFFFF  }
0x14f: {  	p0 =	sne.s32 s0, $0x0;
	s0 =	rddreg [dreg:$0x2]  }
0x150: {  	s0 =	sadd.s32 @!p0 $0x100000, s0  }
0x151: {  	[sflag:s0] =	ssyncadd.tile.s32 @!p0 $0x1;
	_ =	shalt  }
.Lfunc_end2:
_tile_overlayer_lowered:
.L_overlay_start_2:
0x152: {  	(tag) =	ssettag $0x2  }
0x153: {  	s0 =	rddreg [dreg:$0x0];
	s2 =	stileid.u32  }
0x154: {  	s1 =	rddreg [dreg:$0x1];
	p0 =	sne.s32 s2, $0x0  }
0x155: {  	s3 =	rddreg [dreg:$0x2];
	[bflag:$0x3] =	sbarrier.arrive $0xFFFF;
	s2 =	simm.s32 @!p0 $0x1C07  }
0x156: {  	[timem:s3], [sflag:s2] =	dma.local @!p0 [hbm:s0], s1  }
0x157: {  	s0 =	simm.s32 @!p0 $0x7  }
0x158: {  	_ =	swait.ge @!p0 [sflag:s0], s1  }
0x159: {  	s1 =	ssub.s32 @!p0 $0x0, s1;
	[sflag:s0] =	ssyncset.done @!p0 $0x0  }
0x15a: {  	[sflag:s0] =	ssyncadd.s32 @!p0 s1  }
0x15b: {  	[bflag:$0x3] =	sbarrier.arrive $0xFFFF  }
0x15c: {  	_ =	shalt  }

// kernel: sparse-core-data-format-call.cloned.1.call-start
scs
called_computation_lowered:
.L_overlay_start_0:
0x0: {  	s2 =	sld [smem:$0x3FD9]  }
0x1: {  	s3 =	sld [smem:$0x3FFE];
	_ =	sdelay $0x1  }
0x2: {  	s1 =	srdreg.scid  }
0x3: {  	s0 =	sand.u32 $0x1, s1  }
0x4: {  	s18 =	sshll.u32 s0, $0xA;
	s2 =	sadd.s32 s3, s2  }
0x5: {  	s2 =	sadd.s32 s2, s18  }
0x6: {  	[smem:$0x3FC4] =	sst s2  }
0x7: {  	_ = 	snop  }
0x8: {  	s2 =	sld [smem:$0x3FD0];
	(tm) =	ssettm $0x1  }
0x9: {  	s19 =	sld [smem:$0x3FFB];
	_ =	sdelay $0x3  }
0xa: {  	_ =	strace s19  }
0xb: {  	s3 =	sld [smem:$0x3FFC];
	_ =	sdelay $0x3  }
0xc: {  	_ =	strace s3  }
0xd: {  	s3 =	sld [smem:$0x3FFD];
	_ =	sdelay $0x3  }
0xe: {  	_ =	strace s3  }
0xf: {  	_ =	strace $0x8FFFFFFF  }
0x10: {  	s20 =	sld [smem:$0x3FDB];
	_ =	sdelay $0x1  }
0x11: {  	s4 =	simm.s32 $_scs_section_size  }
0x12: {  	s5 =	simm.s32 $_size__tile_overlayer_lowered;
	s6 =	simm.s32 $_tile_overlayer_lowered  }
0x13: {  	s23 =	simm.s32 $0x1BFF;
	s22 =	sshll.u32 s6, $0x1;
	s3 =	sadd.s32 s4, s20  }
0x14: {  	s7 =	simm.s32 $0x0;
	s21 =	sshll.u32 s5, $0x1;
	s5 =	sadd.s32 s22, s3  }
0x15: {  	[timem:s7], [sflag:s23] =	dma.local [hbm:s5], s21  }
0x16: {  	_ =	swait.ge [sflag:s23], s21  }
0x17: {  	s4 =	ssub.s32 $0x0, s21;
	[sflag:s23] =	ssyncset.done $0x0  }
0x18: {  	[sflag:s23] =	ssyncadd.s32 s4;
	_ =	sdelay $0x1  }
0x19: {  	s24 =	simm.s32 $0x1B8B  }
0x1a: {  	_ =	swait.ge [sflag:s24], $0x1  }
0x1b: {  	[sflag:s24] =	ssyncset.done $0x0  }
0x1c: {  	s26 =	simm.s32 $0x1B8E;
	s25 =	sld [smem:$0x3FFE];
	[sflag:s24] =	ssyncadd.s32 $0xFFFFFFFF  }
0x1d: {  	s27 =	simm.s32 $execute0_lowered;
	[smem:$0x3FD2] =	sst s26  }
0x1e: {  	s5 =	sshll.u32 s27, $0x1;
	_ =	strace $0x80000049;
	[dreg:$0x1] =	wrdreg $0xFFFFFFFF  }
0x1f: {  	s28 =	simm.s32 $_size_execute0_lowered;
	s3 =	sadd.s32 s3, s5;
	[dreg:$0x0] =	wrdreg $0x0  }
0x20: {  	s5 =	sshll.u32 s28, $0x1;
	[dreg:$0x2] =	wrdreg s3  }
0x21: {  	[dreg:$0x3] =	wrdreg s5  }
0x22: {  	[dreg:$0x4] =	wrdreg $0xC0  }
0x23: {  	_ =	task [dreg:s7], $0x5FFFF  }
0x24: {  	[dreg:$0x1] =	wrdreg $0xFFFFFFFF  }
0x25: {  	[dreg:$0x0] =	wrdreg $0x60  }
0x26: {  	[dreg:$0x2] =	wrdreg s25  }
0x27: {  	[dreg:$0x3] =	wrdreg s2  }
0x28: {  	[dreg:$0x4] =	wrdreg $0x9  }
0x29: {  	_ =	task.clear_ibuf [dreg:s7], $0x5FFFF;
	_ =	strace $0x90000049  }
0x2a: {  	s29 =	simm.s32 $0x9;
	_ =	strace $0x8000004B  }
0x2b: {  	_ =	swait.ge [sflag:s29], $0x1  }
0x2c: {  	[sflag:s29] =	ssyncadd.s32 $0xFFFFFFFF  }
0x2d: {  	_ =	strace $0x9000004B  }
0x2e: {  	_ =	sfence  }
0x2f: {  	s30 =	sld [smem:$0x0];
	_ =	sdelay $0x2  }
0x30: {  	s31 =	sshll.u32 s1, $0xD;
	s1 =	sshrl.u32 s1, $0x2  }
0x31: {  	s3 =	sand.u32 $0x4000, s31;
	s1 =	sadd.s32 s1, s30  }
0x32: {  	s0 =	sor.u32 s3, s0;
	s1 =	sshll.u32 s1, $0x11  }
0x33: {  	s0 =	sor.u32 s1, s0  }
0x34: {  	s0 =	sadd.s32 $0x8F2B, s0  }
0x35: {  	[sflag:s0] =	ssyncadd.remote.s32 $0x1  }
0x36: {  	_ =	sfence.sel $0xFFFF  }
0x37: {  	[dreg:$0x0] =	wrdreg $0xFFFFFFFF;
	(pc) =	sbr.abs _section_cstart, $3  }
0x38: {  	[dreg:$0x1] =	wrdreg $0xFFFFFFFF  }
0x39: {  	_ =	task.clear_ibuf [dreg:s7], $0x2FFFF;
	_ =	strace $0x9FFFFFFF  }
0x3a: {  	(tm) =	ssettm $0x7FFFFFFF  }
0x3b: {  	_ =	shalt  }
tec
execute0_lowered:
.L_overlay_start_1:
0x0: {  	(tag) =	ssettag $0x1  }
0x1: {  	s0 =	srdreg.scid  }
0x2: {  	s1 =	sshll.u32 s0, $0x4  }
0x3: {  	s0 =	stileid.u32;
	s1 =	sand.u32 $0x10, s1  }
0x4: {  	s1 =	sor.u32 s0, s1  }
0x5: {  	s6 =	rddreg [dreg:$0x0];
	s4 =	simm.s32 $0x1;
	s2 =	sshll.u32 s1, $0x7  }
0x6: {  	s7 =	simm.s32 $0x2;
	s12 =	simm.s32 $0x0;
	s1 =	ssub.s32 $0x1000, s2  }
0x7: {  	s8 =	simm.s32 $0x8000;
	s13 =	simm.s32 $0x0;
	s3 =	sand.u32 $0xF80, s1  }
0x8: {  	s9 =	simm.s32 $0x0;
	s5 =	sshrl.u32 s1, $0xC;
	p0 =	sne.s32 s3, $0x0  }
.Ltmp0:
0x9: {  	s1 =	rddreg [dreg:$0x2];
	s4 =	simm.s32 @!p0 $0x0;
	(pc) =	sbr.rel .LBB1_1-.Ltmp0, $4  }
0xa: {  	s11 =	simm.s32 $0x0;
	s3 =	rddreg [dreg:$0x1];
	s5 =	sadd.s32 s4, s5  }
0xb: {  	_ =	strace $0x8000004A;
	s4 =	simm.s32 $0x1;
	s5 =	smul.u32 $0xC8, s5  }
0xc: {  	s6 =	sadd.s32 $0x600, s6;
	s10 =	smov.u32 s2;
	[sflag:s4] =	ssyncpa.u1 $0x0  }
0xd: {  	p0 =	por $0x0, $0x0;
	[sflag:s7] =	ssyncpa.u1 $0x0;
	s7 =	sor.u32 $0x1, s5  }
.LBB1_4:
0xe: {  	s16 =	sshll.u32 s13, $0x3;
	s17 =	sand.u32 $0x78, s13  }
0xf: {  	s30 =	sand.u32 $0x7E00, s13;
	s12 =	sshll.u32 s12, $0xF;
	s16 =	sand.u32 $0xC00, s16  }
0x10: {  	[tilespmem:s15+$0x810 ss:$0x81] =	vst.msk $0xffff, v2;
	s31 =	sand.u32 $0x7, s13;
	s16 =	sor.u32 s17, s16;
	s17 =	sadd.s32 s3, s30  }
0x11: {  	[tilespmem:s15+$0x1020 ss:$0x81] =	vst.msk $0xffff, v0;
	s13 =	sshll.u32 s31, $0x12;
	s12 =	sadd.s32 s12, s17;
	s16 =	sshrl.u32 s16, $0x3  }
0x12: {  	[tilespmem:s15+$0x0 ss:$0x81] =	vst.msk $0xffff, v1;
	s13 =	sor.u32 $0x400, s13;
	s12 =	sadd.s32 s16, s12  }
0x13: {  	[hbm4b:s12+s13] =	stream.strided.scatter [tilespmem:s14], [sflag:$0x2], $0x2000, s8, s13, $0x20;
	[tilespmem:$0x8080] =	vst v63  }
.LBB1_5:
0x14: {  	s14 =	sadd.s32 $0x1, s9  }
0x15: {  	s12 =	sadd.s32 $0x1000, s10;
	s16 =	smov.u32 s10;
	p2 =	sgt.s32 s14, $0xC7  }
0x16: {  	s16 =	smov.u32 @p2 s12  }
0x17: {  	s14 =	simm.s32 @p2 $0x0;
	p2 =	sgt.s32 s16, $0xFFF  }
0x18: {  	s16 =	smov.u32 @p2 s2;
	p2 =	sne.s32 s11, s7  }
.Ltmp1:
0x19: {  	p1 =	slt.u32 s11, $0x2;
	(pc) =	sbr.rel @!p2 .LBB1_6-.Ltmp1, $4  }
0x1a: {  	s15 =	simm.s32 @!p1 $0x2  }
0x1b: {  	s13 =	smov.u32 s10;
	p0 =	por !p0, !p0;
	_ =	swait.ge @!p1 [sflag:s15], $0x2000  }
0x1c: {  	s12 =	smov.u32 s9;
	[sflag:s15] =	ssyncset.done @!p1 $0x0;
	s9 =	smov.u32 s14  }
0x1d: {  	s11 =	sadd.s32 $0x1, s11;
	[sflag:s15] =	ssyncadd.s32 @!p1 $0xFFFFE000;
	s10 =	smov.u32 s16  }
.LBB1_1:
0x1e: {  	p1 =	sge.u32 s11, s5  }
0x1f: {  	s14 =	sand.u32 @!p1 $0x1FFFFFF, s9  }
0x20: {  	s15 =	smulhi.u32 @!p1 $0x147AE15, s14;
	_ =	sdelay $0x1  }
0x21: {  	s15 =	smul.u32 @!p1 $0xC8, s15  }
0x22: {  	s16 =	sxor.u32 @!p1 $0xFFFFFFFF, s11;
	s17 =	smul.u32 @!p1 $0xC80, s10  }
0x23: {  	s31 =	sadd.s32 $0xFFFFFFFF, s11;
	s16 =	sshll.u32 @!p1 s16, $0xD;
	s14 =	ssub.s32 @!p1 s14, s15  }
0x24: {  	s15 =	sand.u32 @!p1 $0x2000, s16;
	s16 =	sadd.s32 @!p1 s6, s17;
	s14 =	sshll.u32 @!p1 s14, $0x4  }
0x25: {  	s17 =	simm.s32 @!p1 $0x6400;
	s14 =	sadd.s32 @!p1 s14, s16;
	s16 =	simm.s32 @!p1 $0x40  }
0x26: {  	[tilespmem:s15], [sflag:$0x1] =	stream.strided.gather @!p1 [hbm4b:s14+s16], $0x2000, s17, s16, $0x38;
	[tilespmem:$0x8080] =	vst v63  }
0x27: {  	p1 =	sge.u32 s31, s5  }
.Ltmp2:
0x28: {  	_ = 	snop;
	(pc) =	sbr.rel @p1 .LBB1_5-.Ltmp2, $1  }
0x29: {  	_ =	sdelay $0x3  }
0x2a: {  	s14 =	simm.s32 $0x1  }
0x2b: {  	_ =	swait.ge [sflag:s4], $0x2000;
	s14 =	simm.s32 @!p0 $0x0  }
0x2c: {  	[sflag:s4] =	ssyncset.done $0x0;
	s15 =	sshll.u32 s14, $0xD  }
0x2d: {  	[sflag:s4] =	ssyncadd.s32 $0xFFFFE000;
	s18 =	sor.u32 $0x20, s15  }
0x2e: {  	s14 =	smul.u32 $0x8100, s14;
	v3 =	vld [tilespmem:s18+$0x10]  }
0x2f: {  	s30 =	sand.u32 $0x1, s11;
	v2 =	vld [tilespmem:s18+$0xFFFFFFF0]  }
0x30: {  	s15 =	smul.u32 $0x8100, s30;
	s14 =	sshrl.u32 s14, $0x2;
	v0 =	vld [tilespmem:s18+$0x0]  }
0x31: {  	v1 =	vld [tilespmem:s18+$0xFFFFFFE0];
	s16 =	sor.u32 $0x4000, s14  }
0x32: {  	s31 =	sshrl.u32 s15, $0x2;
	s15 =	sadd.s32 $0x0, s16  }
0x33: {  	s17 =	simm.s32 $0x4;
	s18 =	sadd.s32 $0x40, s18;
	s14 =	sor.u32 $0x4000, s31;
	[tilespmem:s15+$0x1830 ss:$0x81] =	vst.msk $0xffff, v3  }
.LBB1_3:
0x34: {  	v3 =	vld [tilespmem:s18+$0x10];
	p1 =	sne.s32 s17, $0x1FC;
	[tilespmem:s15+$0x810 ss:$0x81] =	vst.msk $0xffff, v2;
	s19 =	smov.u32 s17;
	s17 =	sadd.s32 $0x4, s17  }
.Ltmp3:
0x35: {  	v2 =	vld [tilespmem:s18+$0xFFFFFFF0];
	[tilespmem:s15+$0x1020 ss:$0x81] =	vst.msk $0xffff, v0;
	(pc) =	sbr.rel @p1 .LBB1_3-.Ltmp3, $4  }
0x36: {  	v0 =	vld [tilespmem:s18+$0x0];
	[tilespmem:s15+$0x0 ss:$0x81] =	vst.msk $0xffff, v1  }
0x37: {  	s15 =	sshra.s32 s19, $0x2;
	v1 =	vld [tilespmem:s18+$0xFFFFFFE0]  }
0x38: {  	s15 =	sadd.s32 s15, s16  }
0x39: {  	s18 =	sadd.s32 $0x40, s18;
	[tilespmem:s15+$0x1830 ss:$0x81] =	vst.msk $0xffff, v3  }
.Ltmp4:
0x3a: {  	_ = 	snop;
	(pc) =	sbr.rel .LBB1_4-.Ltmp4, $1  }
0x3b: {  	_ =	sdelay $0x3  }
.LBB1_6:
0x3c: {  	_ =	sfence.sel $0x180000  }
0x3d: {  	s2 =	simm.s32 $0x1;
	[bflag:$0x0] =	sbarrier.arrive $0xFFFF  }
0x3e: {  	s31 =	simm.s32 $0x2;
	[sflag:s2] =	ssyncpa.u1 $0x1  }
0x3f: {  	[sflag:s31] =	ssyncpa.u1 $0x1  }
0x40: {  	p0 =	sne.s32 s0, $0x0;
	_ =	strace $0x9000004A  }
0x41: {  	s0 =	sadd.s32 @!p0 $0x100000, s1;
	[bflag:$0x2] =	sbarrier.arrive $0xFFFF  }
0x42: {  	[sflag:s0] =	ssyncadd.tile.s32 @!p0 $0x1;
	_ =	shalt  }
.Lfunc_end1:
_tile_overlayer_lowered:
.L_overlay_start_2:
0x43: {  	(tag) =	ssettag $0x2  }
0x44: {  	s0 =	rddreg [dreg:$0x0];
	s2 =	stileid.u32  }
0x45: {  	s1 =	rddreg [dreg:$0x1];
	p0 =	sne.s32 s2, $0x0  }
0x46: {  	s3 =	rddreg [dreg:$0x2];
	[bflag:$0x3] =	sbarrier.arrive $0xFFFF;
	s2 =	simm.s32 @!p0 $0x1C01  }
0x47: {  	[timem:s3], [sflag:s2] =	dma.local @!p0 [hbm:s0], s1  }
0x48: {  	s0 =	simm.s32 @!p0 $0x1  }
0x49: {  	_ =	swait.ge @!p0 [sflag:s0], s1  }
0x4a: {  	s1 =	ssub.s32 @!p0 $0x0, s1;
	[sflag:s0] =	ssyncset.done @!p0 $0x0  }
0x4b: {  	[sflag:s0] =	ssyncadd.s32 @!p0 s1  }
0x4c: {  	[bflag:$0x3] =	sbarrier.arrive $0xFFFF  }
0x4d: {  	_ =	shalt  }

</sc_bundles>
